<compile_context>
chip_gen: v7x
topology: tpu7x:2x2x1
jax: 0.10.2.dev20260603
libtpu: 0.0.44.dev20260713+nightly
codegen_flags: <defaults>
</compile_context>

<pallas_src>
import functools

import jax
import jax.numpy as jnp
from jax import lax
from jax.experimental import pallas as pl
from jax.experimental.pallas import tpu as pltpu
from jax.experimental.pallas import tpu_sc as plsc

F = 26
B = 4096
D = 64
NF = F + 1
ROWS = F * B

NC, NS = 2, 16
NW = NC * NS
RPW = ROWS // NW
CH = 128
NCH = RPW // CH


def _sc_gather(idx3d, table_pad):
    mesh = plsc.VectorSubcoreMesh(core_axis_name="c", subcore_axis_name="s")

    @functools.partial(
        pl.kernel,
        mesh=mesh,
        out_type=jax.ShapeDtypeStruct((ROWS, 2 * D), jnp.float32),
        scratch_types=[
            pltpu.VMEM((NCH, CH), jnp.int32),
            pltpu.VMEM((CH, 2 * D), jnp.float32),
            pltpu.VMEM((CH, 2 * D), jnp.float32),
            pltpu.SemaphoreType.DMA,
            pltpu.SemaphoreType.DMA,
        ],
    )
    def k(idx_hbm, table_hbm, out_hbm, idx_v, buf0, buf1, sem0, sem1):
        wid = lax.axis_index("s") * NC + lax.axis_index("c")
        base = wid * RPW
        pltpu.sync_copy(idx_hbm.at[wid], idx_v)
        cp0 = pltpu.async_copy(table_hbm.at[idx_v.at[0]], buf0, sem0)

        def body(jj, carry):
            j = 2 * jj
            cp_a = pltpu.async_copy(table_hbm.at[idx_v.at[j + 1]], buf1, sem1)
            pltpu.make_async_copy(table_hbm.at[idx_v.at[j]], buf0, sem0).wait()
            pltpu.sync_copy(buf0, out_hbm.at[pl.ds(base + j * CH, CH)])

            @pl.when(jj + 1 < NCH // 2)
            def _():
                pltpu.async_copy(table_hbm.at[idx_v.at[j + 2]], buf0, sem0)

            pltpu.make_async_copy(table_hbm.at[idx_v.at[j + 1]], buf1, sem1).wait()
            pltpu.sync_copy(buf1, out_hbm.at[pl.ds(base + (j + 1) * CH, CH)])
            return carry

        lax.fori_loop(0, NCH // 2, body, 0)

    return k(idx3d, table_pad)


BB = 256
GRID = B // BB


def _tc_body(dense_ref, sp_ref, w0r, b0r, w1r, b1r, w2r, b2r,
             ow0r, ob0r, ow1r, ob1r, ow2r, ob2r, ow3r, ob3r, out_ref):
    x = dense_ref[...]
    h = jnp.maximum(jnp.dot(x, w0r[...], preferred_element_type=jnp.float32) + b0r[...], 0.0)
    h = jnp.maximum(jnp.dot(h, w1r[...], preferred_element_type=jnp.float32) + b1r[...], 0.0)
    de = jnp.maximum(jnp.dot(h, w2r[...], preferred_element_type=jnp.float32) + b2r[...], 0.0)
    sp = sp_ref[...]
    c3 = jnp.stack([de] + [sp[:, 2 * D * f:2 * D * f + D] for f in range(F)],
                   axis=1)
    parts = [de]
    for f in range(1, NF):
        cf = c3[:, f, :]
        zf = jnp.sum(c3[:, :f, :] * cf[:, None, :], axis=2)
        parts.append(zf)
    feat = jnp.concatenate(parts, axis=1)
    y = jnp.maximum(jnp.dot(feat, ow0r[...], preferred_element_type=jnp.float32) + ob0r[...], 0.0)
    y = jnp.maximum(jnp.dot(y, ow1r[...], preferred_element_type=jnp.float32) + ob1r[...], 0.0)
    y = jnp.maximum(jnp.dot(y, ow2r[...], preferred_element_type=jnp.float32) + ob2r[...], 0.0)
    out_ref[...] = jnp.dot(y, ow3r[...], preferred_element_type=jnp.float32) + ob3r[...]


def _const_spec(arr):
    nd = arr.ndim
    return pl.BlockSpec(arr.shape, lambda i, _n=nd: (0,) * _n)


def _tc_forward(dense_features, sparse3, ws):
    in_specs = [
        pl.BlockSpec((BB, dense_features.shape[1]), lambda i: (i, 0)),
        pl.BlockSpec((BB, F * 2 * D), lambda i: (i, 0)),
    ] + [_const_spec(w) for w in ws]
    return pl.pallas_call(
        _tc_body,
        grid=(GRID,),
        in_specs=in_specs,
        out_specs=pl.BlockSpec((BB, 1), lambda i: (i, 0)),
        out_shape=jax.ShapeDtypeStruct((B, 1), jnp.float32),
    )(dense_features, sparse3, *ws)


def kernel(dense_features, sparse_values, sparse_offsets, emb_table,
           dense_w0, dense_b0, dense_w1, dense_b1, dense_w2, dense_b2,
           over_w0, over_b0, over_w1, over_b1, over_w2, over_b2, over_w3, over_b3):
    del sparse_offsets
    idx3d = sparse_values.reshape(F, B).T.reshape(NW, NCH, CH)
    table_pad = jnp.pad(emb_table, ((0, 4), (0, D)))
    gathered = _sc_gather(idx3d, table_pad)
    sparse3 = gathered.reshape(B, F * 2 * D)
    ws = [dense_w0, dense_b0.reshape(1, -1), dense_w1, dense_b1.reshape(1, -1),
          dense_w2, dense_b2.reshape(1, -1),
          over_w0, over_b0.reshape(1, -1), over_w1, over_b1.reshape(1, -1),
          over_w2, over_b2.reshape(1, -1), over_w3, over_b3.reshape(1, -1)]
    return _tc_forward(dense_features, sparse3, ws)

# --- scband reference (transcript-rebuilt; emitter-appended) ---
"""Pipeline reference for scband-hybrid-parallel-dlrm-4312147165202 (READ-ONLY COPY).

The authoritative reference and input builder live on the scoring server;
editing this copy changes nothing except your own understanding.
"""

import jax, jax.numpy as jnp
import numpy as np

F = 26
B = 4096
D = 64
PER_TABLE = 38462
TOTAL_VOCAB = F * PER_TABLE
DENSE_IN = 13
DENSE_LAYERS = [512, 256, 64]
OVER_LAYERS = [512, 512, 256, 1]
NUM_F = F + 1
OVER_IN = D + (NUM_F * (NUM_F - 1)) // 2


def _init_linear(key, fan_in, fan_out):
    kw, kb = jax.random.split(key)
    lim = 1.0 / np.sqrt(fan_in)
    w = jax.random.uniform(kw, (fan_in, fan_out), minval=-lim, maxval=lim, dtype=jnp.float32)
    b = jax.random.uniform(kb, (fan_out,), minval=-lim, maxval=lim, dtype=jnp.float32)
    return w, b


def setup_inputs(seed: int = 0):
    key = jax.random.key(seed)
    ks = jax.random.split(key, 12)
    dense_features = jax.random.normal(ks[0], (B, DENSE_IN), dtype=jnp.float32)
    raw = jax.random.randint(ks[1], (F, B), 0, PER_TABLE, dtype=jnp.int32)
    table_offsets = (jnp.arange(F, dtype=jnp.int32) * PER_TABLE)[:, None]
    sparse_values = (raw + table_offsets).reshape(-1)
    sparse_offsets = jnp.arange(F * B + 1, dtype=jnp.int32)
    emb_table = jax.random.normal(ks[2], (TOTAL_VOCAB, D), dtype=jnp.float32) * 0.01
    inp = {"dense_features": dense_features, "sparse_values": sparse_values, "sparse_offsets": sparse_offsets, "emb_table": emb_table}
    dims = [DENSE_IN] + DENSE_LAYERS
    for i in range(len(DENSE_LAYERS)):
        w, b = _init_linear(ks[3 + i], dims[i], dims[i + 1])
        inp["dense_w%d" % i] = w
        inp["dense_b%d" % i] = b
    odims = [OVER_IN] + OVER_LAYERS
    for i in range(len(OVER_LAYERS)):
        w, b = _init_linear(ks[7 + i], odims[i], odims[i + 1])
        inp["over_w%d" % i] = w
        inp["over_b%d" % i] = b
    return inp


def _forward(dense_features, emb_table, dws, dbs, ows, obs, sparse_values, sparse_offsets):
    # FusedSparseModules: fused EmbeddingBag(mode='sum', include_last_offset=True)
    n_bags = sparse_offsets.shape[0] - 1
    lengths = sparse_offsets[1:] - sparse_offsets[:-1]
    seg_ids = jnp.repeat(jnp.arange(n_bags), lengths, total_repeat_length=sparse_values.shape[0])
    gathered = jnp.take(emb_table, sparse_values, axis=0)
    bags = jax.ops.segment_sum(gathered, seg_ids, num_segments=n_bags)
    # sparse_embedding_shape_hook: view(F, B, -1).transpose(0, 1) -> [B, F, D]
    sparse_emb = jnp.transpose(bags.reshape(F, B, D), (1, 0, 2))
    # DenseArch: MLP with ReLU after every layer
    x = dense_features
    for w, b in zip(dws, dbs):
        x = jax.nn.relu(x @ w + b)
    dense_emb = x
    # InteractionArch: pairwise dot products over [dense_emb; sparse_emb]
    combined = jnp.concatenate([dense_emb[:, None, :], sparse_emb], axis=1)
    Z = jnp.einsum("bfd,bgd->bfg", combined, combined)
    li, lj = jnp.tril_indices(NUM_F, k=-1)
    inter = Z[:, li, lj]
    feat = jnp.concatenate([dense_emb, inter], axis=1)
    # OverArch: ReLU on all but the final linear layer
    y = feat
    n = len(ows)
    for i in range(n):
        y = y @ ows[i] + obs[i]
        if i < n - 1:
            y = jax.nn.relu(y)
    return y


def reference(dense_features, sparse_values, sparse_offsets, emb_table, dense_w0, dense_b0, dense_w1, dense_b1, dense_w2, dense_b2, over_w0, over_b0, over_w1, over_b1, over_w2, over_b2, over_w3, over_b3):
    return _forward(dense_features, emb_table,
                    [dense_w0, dense_w1, dense_w2], [dense_b0, dense_b1, dense_b2],
                    [over_w0, over_w1, over_w2, over_w3], [over_b0, over_b1, over_b2, over_b3],
                    sparse_values, sparse_offsets)

if __name__ == "__main__":
    import jax
    _d = setup_inputs()
    print(jax.jit(kernel)(*tuple(_d.values())))

</pallas_src>

<mosaic_0001>
#map = affine_map<(d0, d1) -> (0, 0, 0)>
#map1 = affine_map<(d0, d1) -> (0, 0)>
module attributes {stable_mosaic.version = 14 : i64} {
  func.func @k(%arg0: i32, %arg1: i32, %arg2: memref<32x26x128xi32, #tpu.memory_space<hbm>>, %arg3: memref<1000016x128xf32, #tpu.memory_space<hbm>>, %arg4: memref<106496x128xf32, #tpu.memory_space<hbm>>, %arg5: memref<26x128xi32, #tpu.memory_space<vmem>>, %arg6: memref<128x128xf32, #tpu.memory_space<vmem>>, %arg7: memref<128x128xf32, #tpu.memory_space<vmem>>, %arg8: memref<!tpu.dma_semaphore, #tpu.memory_space<semaphore_mem>>, %arg9: memref<!tpu.dma_semaphore, #tpu.memory_space<semaphore_mem>>) attributes {dimension_semantics = [#tpu.dimension_semantics<core_parallel>, #tpu.dimension_semantics<subcore_parallel>], iteration_bounds = array<i64: 2, 16>, scalar_prefetch = 0 : i64, scratch_operands = 5 : i64, tpu.core_type = #tpu.core_type<sc_vector_subcore>, window_params = [{transform_indices = #map}, {transform_indices = #map1}, {transform_indices = #map1}]} {
    %mul3A = arith.constant 2 : i32
    %mul3A_0 = arith.muli %arg1, %mul3A : i32
    %add3A = arith.addi %mul3A_0, %arg0 : i32
    %mul3A_1 = arith.constant 3328 : i32
    %mul3A_2 = arith.muli %add3A, %mul3A_1 : i32
    "tpu.region"() ({
      %run_scoped3A = tpu.sem_alloc : memref<!tpu.dma_semaphore, #tpu.memory_space<semaphore_mem>>
      %dma_start3A_14 = arith.constant 0 : i32
      %dma_start3A_15 = arith.constant 0 : i32
      %dma_start3A_16 = tpu.memref_slice %arg2[%add3A, %dma_start3A_14, %dma_start3A_15] : memref<32x26x128xi32, #tpu.memory_space<hbm>> -> memref<1x26x128xi32, #tpu.memory_space<hbm>>
      %dma_start3A_17 = tpu.memref_squeeze %dma_start3A_16 : memref<1x26x128xi32, #tpu.memory_space<hbm>> -> memref<26x128xi32, #tpu.memory_space<hbm>>
      %dma_start3A_18 = arith.constant 0 : i32
      %dma_start3A_19 = arith.constant 0 : i32
      %dma_start3A_20 = tpu.memref_slice %arg2[%add3A, %dma_start3A_18, %dma_start3A_19] : memref<32x26x128xi32, #tpu.memory_space<hbm>> -> memref<1x26x128xi32, #tpu.memory_space<hbm>>
      %dma_start3A_21 = tpu.memref_squeeze %dma_start3A_20 : memref<1x26x128xi32, #tpu.memory_space<hbm>> -> memref<26x128xi32, #tpu.memory_space<hbm>>
      tpu.enqueue_dma source(%dma_start3A_21 : memref<26x128xi32, #tpu.memory_space<hbm>>) target(%arg5 : memref<26x128xi32, #tpu.memory_space<vmem>>) target_semaphore(%run_scoped3A : memref<!tpu.dma_semaphore, #tpu.memory_space<semaphore_mem>>)
      %dma_wait3A = arith.constant 0 : i32
      %dma_wait3A_22 = arith.constant 0 : i32
      %dma_wait3A_23 = tpu.memref_slice %arg2[%add3A, %dma_wait3A, %dma_wait3A_22] : memref<32x26x128xi32, #tpu.memory_space<hbm>> -> memref<1x26x128xi32, #tpu.memory_space<hbm>>
      %dma_wait3A_24 = tpu.memref_squeeze %dma_wait3A_23 : memref<1x26x128xi32, #tpu.memory_space<hbm>> -> memref<26x128xi32, #tpu.memory_space<hbm>>
      %dma_wait3A_25 = arith.constant 0 : i32
      %dma_wait3A_26 = arith.constant 0 : i32
      %dma_wait3A_27 = tpu.memref_slice %arg2[%add3A, %dma_wait3A_25, %dma_wait3A_26] : memref<32x26x128xi32, #tpu.memory_space<hbm>> -> memref<1x26x128xi32, #tpu.memory_space<hbm>>
      %dma_wait3A_28 = tpu.memref_squeeze %dma_wait3A_27 : memref<1x26x128xi32, #tpu.memory_space<hbm>> -> memref<26x128xi32, #tpu.memory_space<hbm>>
      tpu.wait_dma2 semaphore(%run_scoped3A : memref<!tpu.dma_semaphore, #tpu.memory_space<semaphore_mem>>) src(%dma_wait3A_28 : memref<26x128xi32, #tpu.memory_space<hbm>>) dst(%arg5 : memref<26x128xi32, #tpu.memory_space<vmem>>)
      tpu.yield
    }) : () -> ()
    %dma_start3A = arith.constant 0 : i32
    %dma_start3A_3 = arith.constant 0 : i32
    %dma_start3A_4 = tpu.memref_slice %arg5[%dma_start3A, %dma_start3A_3] : memref<26x128xi32, #tpu.memory_space<vmem>> -> memref<1x128xi32, #tpu.memory_space<vmem>>
    %dma_start3A_5 = tpu.memref_squeeze %dma_start3A_4 : memref<1x128xi32, #tpu.memory_space<vmem>> -> memref<128xi32, #tpu.memory_space<vmem>>
    %dma_start3A_6 = arith.constant 0 : i32
    %dma_start3A_7 = arith.constant 0 : i32
    %dma_start3A_8 = tpu.memref_slice %arg3[%dma_start3A_6, %dma_start3A_7] : memref<1000016x128xf32, #tpu.memory_space<hbm>> -> memref<1000016x128xf32, #tpu.memory_space<hbm>>
    tpu.enqueue_indirect_dma source(%dma_start3A_8 : memref<1000016x128xf32, #tpu.memory_space<hbm>>) target(%arg6 : memref<128x128xf32, #tpu.memory_space<vmem>>) offsets(%dma_start3A_5 : memref<128xi32, #tpu.memory_space<vmem>>) semaphore(%arg8 : memref<!tpu.dma_semaphore, #tpu.memory_space<semaphore_mem>>)
    %scan3A = arith.constant 0 : i32
    %scan3A_9 = arith.constant 0 : i32
    %scan3A_10 = arith.constant 13 : i32
    %scan3A_11 = arith.addi %scan3A_9, %scan3A_10 : i32
    %scan3A_12 = arith.constant 1 : i32
    scf.for %scan3A_14 = %scan3A_9 to %scan3A_11 step %scan3A_12  : i32 {
      %mul3A_15 = arith.constant 2 : i32
      %mul3A_16 = arith.muli %mul3A_15, %scan3A_14 : i32
      %add3A_17 = arith.constant 1 : i32
      %add3A_18 = arith.addi %mul3A_16, %add3A_17 : i32
      %dma_start3A_19 = arith.constant 0 : i32
      %dma_start3A_20 = tpu.memref_slice %arg5[%add3A_18, %dma_start3A_19] : memref<26x128xi32, #tpu.memory_space<vmem>> -> memref<1x128xi32, #tpu.memory_space<vmem>>
      %dma_start3A_21 = tpu.memref_squeeze %dma_start3A_20 : memref<1x128xi32, #tpu.memory_space<vmem>> -> memref<128xi32, #tpu.memory_space<vmem>>
      %dma_start3A_22 = arith.constant 0 : i32
      %dma_start3A_23 = arith.constant 0 : i32
      %dma_start3A_24 = tpu.memref_slice %arg3[%dma_start3A_22, %dma_start3A_23] : memref<1000016x128xf32, #tpu.memory_space<hbm>> -> memref<1000016x128xf32, #tpu.memory_space<hbm>>
      tpu.enqueue_indirect_dma source(%dma_start3A_24 : memref<1000016x128xf32, #tpu.memory_space<hbm>>) target(%arg7 : memref<128x128xf32, #tpu.memory_space<vmem>>) offsets(%dma_start3A_21 : memref<128xi32, #tpu.memory_space<vmem>>) semaphore(%arg9 : memref<!tpu.dma_semaphore, #tpu.memory_space<semaphore_mem>>)
      %dma_wait3A = arith.constant 0 : i32
      %dma_wait3A_25 = tpu.memref_slice %arg5[%mul3A_16, %dma_wait3A] : memref<26x128xi32, #tpu.memory_space<vmem>> -> memref<1x128xi32, #tpu.memory_space<vmem>>
      %dma_wait3A_26 = tpu.memref_squeeze %dma_wait3A_25 : memref<1x128xi32, #tpu.memory_space<vmem>> -> memref<128xi32, #tpu.memory_space<vmem>>
      %dma_wait3A_27 = arith.constant 0 : i32
      %dma_wait3A_28 = arith.constant 0 : i32
      %dma_wait3A_29 = tpu.memref_slice %arg3[%dma_wait3A_27, %dma_wait3A_28] : memref<1000016x128xf32, #tpu.memory_space<hbm>> -> memref<1000016x128xf32, #tpu.memory_space<hbm>>
      tpu.wait_indirect_dma semaphore(%arg8 : memref<!tpu.dma_semaphore, #tpu.memory_space<semaphore_mem>>) src(%dma_wait3A_29 : memref<1000016x128xf32, #tpu.memory_space<hbm>>) dst(%arg6 : memref<128x128xf32, #tpu.memory_space<vmem>>)
      %mul3A_30 = arith.constant 128 : i32
      %mul3A_31 = arith.muli %mul3A_16, %mul3A_30 : i32
      %add3A_32 = arith.addi %mul3A_2, %mul3A_31 : i32
      "tpu.region"() ({
        %run_scoped3A = tpu.sem_alloc : memref<!tpu.dma_semaphore, #tpu.memory_space<semaphore_mem>>
        %dma_start3A_50 = arith.constant 0 : i32
        %dma_start3A_51 = tpu.memref_slice %arg4[%add3A_32, %dma_start3A_50] : memref<106496x128xf32, #tpu.memory_space<hbm>> -> memref<128x128xf32, #tpu.memory_space<hbm>>
        %dma_start3A_52 = arith.constant 0 : i32
        %dma_start3A_53 = tpu.memref_slice %arg4[%add3A_32, %dma_start3A_52] : memref<106496x128xf32, #tpu.memory_space<hbm>> -> memref<128x128xf32, #tpu.memory_space<hbm>>
        tpu.enqueue_dma source(%arg6 : memref<128x128xf32, #tpu.memory_space<vmem>>) target(%dma_start3A_53 : memref<128x128xf32, #tpu.memory_space<hbm>>) target_semaphore(%run_scoped3A : memref<!tpu.dma_semaphore, #tpu.memory_space<semaphore_mem>>)
        %dma_wait3A_54 = arith.constant 0 : i32
        %dma_wait3A_55 = tpu.memref_slice %arg4[%add3A_32, %dma_wait3A_54] : memref<106496x128xf32, #tpu.memory_space<hbm>> -> memref<128x128xf32, #tpu.memory_space<hbm>>
        %dma_wait3A_56 = arith.constant 0 : i32
        %dma_wait3A_57 = tpu.memref_slice %arg4[%add3A_32, %dma_wait3A_56] : memref<106496x128xf32, #tpu.memory_space<hbm>> -> memref<128x128xf32, #tpu.memory_space<hbm>>
        tpu.wait_dma2 semaphore(%run_scoped3A : memref<!tpu.dma_semaphore, #tpu.memory_space<semaphore_mem>>) src(%arg6 : memref<128x128xf32, #tpu.memory_space<vmem>>) dst(%dma_wait3A_57 : memref<128x128xf32, #tpu.memory_space<hbm>>)
        tpu.yield
      }) : () -> ()
      %add3A_33 = arith.constant 1 : i32
      %add3A_34 = arith.addi %scan3A_14, %add3A_33 : i32
      %lt3A = arith.constant 13 : i32
      %lt3A_35 = arith.cmpi slt, %add3A_34, %lt3A : i32
      %convert_element_type3A = arith.extui %lt3A_35 : i1 to i32
      %cond3A = arith.constant 0 : i32
      %cond3A_36 = arith.cmpi ne, %convert_element_type3A, %cond3A : i32
      scf.if %cond3A_36 {
        %add3A_50 = arith.constant 2 : i32
        %add3A_51 = arith.addi %mul3A_16, %add3A_50 : i32
        %dma_start3A_52 = arith.constant 0 : i32
        %dma_start3A_53 = tpu.memref_slice %arg5[%add3A_51, %dma_start3A_52] : memref<26x128xi32, #tpu.memory_space<vmem>> -> memref<1x128xi32, #tpu.memory_space<vmem>>
        %dma_start3A_54 = tpu.memref_squeeze %dma_start3A_53 : memref<1x128xi32, #tpu.memory_space<vmem>> -> memref<128xi32, #tpu.memory_space<vmem>>
        %dma_start3A_55 = arith.constant 0 : i32
        %dma_start3A_56 = arith.constant 0 : i32
        %dma_start3A_57 = tpu.memref_slice %arg3[%dma_start3A_55, %dma_start3A_56] : memref<1000016x128xf32, #tpu.memory_space<hbm>> -> memref<1000016x128xf32, #tpu.memory_space<hbm>>
        tpu.enqueue_indirect_dma source(%dma_start3A_57 : memref<1000016x128xf32, #tpu.memory_space<hbm>>) target(%arg6 : memref<128x128xf32, #tpu.memory_space<vmem>>) offsets(%dma_start3A_54 : memref<128xi32, #tpu.memory_space<vmem>>) semaphore(%arg8 : memref<!tpu.dma_semaphore, #tpu.memory_space<semaphore_mem>>)
      } else {
      }
      %add3A_37 = arith.constant 1 : i32
      %add3A_38 = arith.addi %mul3A_16, %add3A_37 : i32
      %dma_wait3A_39 = arith.constant 0 : i32
      %dma_wait3A_40 = tpu.memref_slice %arg5[%add3A_38, %dma_wait3A_39] : memref<26x128xi32, #tpu.memory_space<vmem>> -> memref<1x128xi32, #tpu.memory_space<vmem>>
      %dma_wait3A_41 = tpu.memref_squeeze %dma_wait3A_40 : memref<1x128xi32, #tpu.memory_space<vmem>> -> memref<128xi32, #tpu.memory_space<vmem>>
      %dma_wait3A_42 = arith.constant 0 : i32
      %dma_wait3A_43 = arith.constant 0 : i32
      %dma_wait3A_44 = tpu.memref_slice %arg3[%dma_wait3A_42, %dma_wait3A_43] : memref<1000016x128xf32, #tpu.memory_space<hbm>> -> memref<1000016x128xf32, #tpu.memory_space<hbm>>
      tpu.wait_indirect_dma semaphore(%arg9 : memref<!tpu.dma_semaphore, #tpu.memory_space<semaphore_mem>>) src(%dma_wait3A_44 : memref<1000016x128xf32, #tpu.memory_space<hbm>>) dst(%arg7 : memref<128x128xf32, #tpu.memory_space<vmem>>)
      %add3A_45 = arith.constant 1 : i32
      %add3A_46 = arith.addi %mul3A_16, %add3A_45 : i32
      %mul3A_47 = arith.constant 128 : i32
      %mul3A_48 = arith.muli %add3A_46, %mul3A_47 : i32
      %add3A_49 = arith.addi %mul3A_2, %mul3A_48 : i32
      "tpu.region"() ({
        %run_scoped3A = tpu.sem_alloc : memref<!tpu.dma_semaphore, #tpu.memory_space<semaphore_mem>>
        %dma_start3A_50 = arith.constant 0 : i32
        %dma_start3A_51 = tpu.memref_slice %arg4[%add3A_49, %dma_start3A_50] : memref<106496x128xf32, #tpu.memory_space<hbm>> -> memref<128x128xf32, #tpu.memory_space<hbm>>
        %dma_start3A_52 = arith.constant 0 : i32
        %dma_start3A_53 = tpu.memref_slice %arg4[%add3A_49, %dma_start3A_52] : memref<106496x128xf32, #tpu.memory_space<hbm>> -> memref<128x128xf32, #tpu.memory_space<hbm>>
        tpu.enqueue_dma source(%arg7 : memref<128x128xf32, #tpu.memory_space<vmem>>) target(%dma_start3A_53 : memref<128x128xf32, #tpu.memory_space<hbm>>) target_semaphore(%run_scoped3A : memref<!tpu.dma_semaphore, #tpu.memory_space<semaphore_mem>>)
        %dma_wait3A_54 = arith.constant 0 : i32
        %dma_wait3A_55 = tpu.memref_slice %arg4[%add3A_49, %dma_wait3A_54] : memref<106496x128xf32, #tpu.memory_space<hbm>> -> memref<128x128xf32, #tpu.memory_space<hbm>>
        %dma_wait3A_56 = arith.constant 0 : i32
        %dma_wait3A_57 = tpu.memref_slice %arg4[%add3A_49, %dma_wait3A_56] : memref<106496x128xf32, #tpu.memory_space<hbm>> -> memref<128x128xf32, #tpu.memory_space<hbm>>
        tpu.wait_dma2 semaphore(%run_scoped3A : memref<!tpu.dma_semaphore, #tpu.memory_space<semaphore_mem>>) src(%arg7 : memref<128x128xf32, #tpu.memory_space<vmem>>) dst(%dma_wait3A_57 : memref<128x128xf32, #tpu.memory_space<hbm>>)
        tpu.yield
      }) : () -> ()
    }
    %scan3A_13 = arith.constant 13 : i32
    return
  }
}

module attributes {stable_mosaic.version = 14 : i64} {
  func.func @_tc_body(%arg0: i32, %arg1: memref<256x13xf32, #tpu.memory_space<vmem>>, %arg2: memref<256x3328xf32, #tpu.memory_space<vmem>>, %arg3: memref<13x512xf32, #tpu.memory_space<vmem>>, %arg4: memref<1x512xf32, #tpu.memory_space<vmem>>, %arg5: memref<512x256xf32, #tpu.memory_space<vmem>>, %arg6: memref<1x256xf32, #tpu.memory_space<vmem>>, %arg7: memref<256x64xf32, #tpu.memory_space<vmem>>, %arg8: memref<1x64xf32, #tpu.memory_space<vmem>>, %arg9: memref<415x512xf32, #tpu.memory_space<vmem>>, %arg10: memref<1x512xf32, #tpu.memory_space<vmem>>, %arg11: memref<512x512xf32, #tpu.memory_space<vmem>>, %arg12: memref<1x512xf32, #tpu.memory_space<vmem>>, %arg13: memref<512x256xf32, #tpu.memory_space<vmem>>, %arg14: memref<1x256xf32, #tpu.memory_space<vmem>>, %arg15: memref<256x1xf32, #tpu.memory_space<vmem>>, %arg16: memref<1x1xf32, #tpu.memory_space<vmem>>, %arg17: memref<256x1xf32, #tpu.memory_space<vmem>>) attributes {dimension_semantics = [#tpu.dimension_semantics<arbitrary>], iteration_bounds = array<i64: 16>, scalar_prefetch = 0 : i64, scratch_operands = 0 : i64, tpu.core_type = #tpu.core_type<tc>, window_params = [{transform_indices = @transform_0, window_bounds = array<i64: 256, 13>}, {transform_indices = @transform_1, window_bounds = array<i64: 256, 3328>}, {pipeline_mode = #tpu.pipeline_mode<synchronous>, transform_indices = @transform_2, window_bounds = array<i64: 13, 512>}, {pipeline_mode = #tpu.pipeline_mode<synchronous>, transform_indices = @transform_3, window_bounds = array<i64: 1, 512>}, {pipeline_mode = #tpu.pipeline_mode<synchronous>, transform_indices = @transform_4, window_bounds = array<i64: 512, 256>}, {pipeline_mode = #tpu.pipeline_mode<synchronous>, transform_indices = @transform_5, window_bounds = array<i64: 1, 256>}, {pipeline_mode = #tpu.pipeline_mode<synchronous>, transform_indices = @transform_6, window_bounds = array<i64: 256, 64>}, {pipeline_mode = #tpu.pipeline_mode<synchronous>, transform_indices = @transform_7, window_bounds = array<i64: 1, 64>}, {pipeline_mode = #tpu.pipeline_mode<synchronous>, transform_indices = @transform_8, window_bounds = array<i64: 415, 512>}, {pipeline_mode = #tpu.pipeline_mode<synchronous>, transform_indices = @transform_9, window_bounds = array<i64: 1, 512>}, {pipeline_mode = #tpu.pipeline_mode<synchronous>, transform_indices = @transform_10, window_bounds = array<i64: 512, 512>}, {pipeline_mode = #tpu.pipeline_mode<synchronous>, transform_indices = @transform_11, window_bounds = array<i64: 1, 512>}, {pipeline_mode = #tpu.pipeline_mode<synchronous>, transform_indices = @transform_12, window_bounds = array<i64: 512, 256>}, {pipeline_mode = #tpu.pipeline_mode<synchronous>, transform_indices = @transform_13, window_bounds = array<i64: 1, 256>}, {pipeline_mode = #tpu.pipeline_mode<synchronous>, transform_indices = @transform_14, window_bounds = array<i64: 256, 1>}, {pipeline_mode = #tpu.pipeline_mode<synchronous>, transform_indices = @transform_15, window_bounds = array<i64: 1, 1>}, {transform_indices = @transform_16, window_bounds = array<i64: 256, 1>}]} {
    %get3A = arith.constant 0 : index
    %get3A_0 = arith.constant 0 : index
    %get3A_1 = vector.load %arg1[%get3A, %get3A_0] : memref<256x13xf32, #tpu.memory_space<vmem>>, vector<256x13xf32>
    %get3A_2 = arith.constant 0 : index
    %get3A_3 = arith.constant 0 : index
    %get3A_4 = vector.load %arg3[%get3A_2, %get3A_3] : memref<13x512xf32, #tpu.memory_space<vmem>>, vector<13x512xf32>
    %dot_general3A = arith.constant dense<0.000000e+00> : vector<256x512xf32>
    %dot_general3A_5 = tpu.matmul %get3A_1, %get3A_4, %dot_general3A {dimension_numbers = #tpu.dot_dimension_numbers<[1], [0], [0], [1], [0, 0, 1, 1], [], []>, transpose_lhs_hint = false} : vector<256x13xf32>, vector<13x512xf32>, vector<256x512xf32> -> vector<256x512xf32>
    %get3A_6 = arith.constant 0 : index
    %get3A_7 = arith.constant 0 : index
    %get3A_8 = vector.load %arg4[%get3A_6, %get3A_7] : memref<1x512xf32, #tpu.memory_space<vmem>>, vector<1x512xf32>
    %add3A = vector.broadcast %get3A_8 : vector<1x512xf32> to vector<256x512xf32>
    %add3A_9 = arith.addf %dot_general3A_5, %add3A : vector<256x512xf32>
    %max3A = arith.constant 0.000000e+00 : f32
    %max3A_10 = vector.broadcast %max3A : f32 to vector<256x512xf32>
    %max3A_11 = arith.maximumf %add3A_9, %max3A_10 : vector<256x512xf32>
    %get3A_12 = arith.constant 0 : index
    %get3A_13 = arith.constant 0 : index
    %get3A_14 = vector.load %arg5[%get3A_12, %get3A_13] : memref<512x256xf32, #tpu.memory_space<vmem>>, vector<512x256xf32>
    %dot_general3A_15 = arith.constant dense<0.000000e+00> : vector<256x256xf32>
    %dot_general3A_16 = tpu.matmul %max3A_11, %get3A_14, %dot_general3A_15 {dimension_numbers = #tpu.dot_dimension_numbers<[1], [0], [0], [1], [0, 0, 1, 1], [], []>, transpose_lhs_hint = false} : vector<256x512xf32>, vector<512x256xf32>, vector<256x256xf32> -> vector<256x256xf32>
    %get3A_17 = arith.constant 0 : index
    %get3A_18 = arith.constant 0 : index
    %get3A_19 = vector.load %arg6[%get3A_17, %get3A_18] : memref<1x256xf32, #tpu.memory_space<vmem>>, vector<1x256xf32>
    %add3A_20 = vector.broadcast %get3A_19 : vector<1x256xf32> to vector<256x256xf32>
    %add3A_21 = arith.addf %dot_general3A_16, %add3A_20 : vector<256x256xf32>
    %max3A_22 = arith.constant 0.000000e+00 : f32
    %max3A_23 = vector.broadcast %max3A_22 : f32 to vector<256x256xf32>
    %max3A_24 = arith.maximumf %add3A_21, %max3A_23 : vector<256x256xf32>
    %get3A_25 = arith.constant 0 : index
    %get3A_26 = arith.constant 0 : index
    %get3A_27 = vector.load %arg7[%get3A_25, %get3A_26] : memref<256x64xf32, #tpu.memory_space<vmem>>, vector<256x64xf32>
    %dot_general3A_28 = arith.constant dense<0.000000e+00> : vector<256x64xf32>
    %dot_general3A_29 = tpu.matmul %max3A_24, %get3A_27, %dot_general3A_28 {dimension_numbers = #tpu.dot_dimension_numbers<[1], [0], [0], [1], [0, 0, 1, 1], [], []>, transpose_lhs_hint = false} : vector<256x256xf32>, vector<256x64xf32>, vector<256x64xf32> -> vector<256x64xf32>
    %get3A_30 = arith.constant 0 : index
    %get3A_31 = arith.constant 0 : index
    %get3A_32 = vector.load %arg8[%get3A_30, %get3A_31] : memref<1x64xf32, #tpu.memory_space<vmem>>, vector<1x64xf32>
    %add3A_33 = vector.broadcast %get3A_32 : vector<1x64xf32> to vector<256x64xf32>
    %add3A_34 = arith.addf %dot_general3A_29, %add3A_33 : vector<256x64xf32>
    %max3A_35 = arith.constant 0.000000e+00 : f32
    %max3A_36 = vector.broadcast %max3A_35 : f32 to vector<256x64xf32>
    %max3A_37 = arith.maximumf %add3A_34, %max3A_36 : vector<256x64xf32>
    %get3A_38 = arith.constant 0 : index
    %get3A_39 = arith.constant 0 : index
    %get3A_40 = vector.load %arg2[%get3A_38, %get3A_39] : memref<256x3328xf32, #tpu.memory_space<vmem>>, vector<256x3328xf32>
    %slice3A = vector.extract_strided_slice %get3A_40 {offsets = [0, 0], sizes = [256, 64], strides = [1, 1]} : vector<256x3328xf32> to vector<256x64xf32>
    %slice3A_41 = vector.extract_strided_slice %get3A_40 {offsets = [0, 128], sizes = [256, 64], strides = [1, 1]} : vector<256x3328xf32> to vector<256x64xf32>
    %slice3A_42 = vector.extract_strided_slice %get3A_40 {offsets = [0, 256], sizes = [256, 64], strides = [1, 1]} : vector<256x3328xf32> to vector<256x64xf32>
    %slice3A_43 = vector.extract_strided_slice %get3A_40 {offsets = [0, 384], sizes = [256, 64], strides = [1, 1]} : vector<256x3328xf32> to vector<256x64xf32>
    %slice3A_44 = vector.extract_strided_slice %get3A_40 {offsets = [0, 512], sizes = [256, 64], strides = [1, 1]} : vector<256x3328xf32> to vector<256x64xf32>
    %slice3A_45 = vector.extract_strided_slice %get3A_40 {offsets = [0, 640], sizes = [256, 64], strides = [1, 1]} : vector<256x3328xf32> to vector<256x64xf32>
    %slice3A_46 = vector.extract_strided_slice %get3A_40 {offsets = [0, 768], sizes = [256, 64], strides = [1, 1]} : vector<256x3328xf32> to vector<256x64xf32>
    %slice3A_47 = vector.extract_strided_slice %get3A_40 {offsets = [0, 896], sizes = [256, 64], strides = [1, 1]} : vector<256x3328xf32> to vector<256x64xf32>
    %slice3A_48 = vector.extract_strided_slice %get3A_40 {offsets = [0, 1024], sizes = [256, 64], strides = [1, 1]} : vector<256x3328xf32> to vector<256x64xf32>
    %slice3A_49 = vector.extract_strided_slice %get3A_40 {offsets = [0, 1152], sizes = [256, 64], strides = [1, 1]} : vector<256x3328xf32> to vector<256x64xf32>
    %slice3A_50 = vector.extract_strided_slice %get3A_40 {offsets = [0, 1280], sizes = [256, 64], strides = [1, 1]} : vector<256x3328xf32> to vector<256x64xf32>
    %slice3A_51 = vector.extract_strided_slice %get3A_40 {offsets = [0, 1408], sizes = [256, 64], strides = [1, 1]} : vector<256x3328xf32> to vector<256x64xf32>
    %slice3A_52 = vector.extract_strided_slice %get3A_40 {offsets = [0, 1536], sizes = [256, 64], strides = [1, 1]} : vector<256x3328xf32> to vector<256x64xf32>
    %slice3A_53 = vector.extract_strided_slice %get3A_40 {offsets = [0, 1664], sizes = [256, 64], strides = [1, 1]} : vector<256x3328xf32> to vector<256x64xf32>
    %slice3A_54 = vector.extract_strided_slice %get3A_40 {offsets = [0, 1792], sizes = [256, 64], strides = [1, 1]} : vector<256x3328xf32> to vector<256x64xf32>
    %slice3A_55 = vector.extract_strided_slice %get3A_40 {offsets = [0, 1920], sizes = [256, 64], strides = [1, 1]} : vector<256x3328xf32> to vector<256x64xf32>
    %slice3A_56 = vector.extract_strided_slice %get3A_40 {offsets = [0, 2048], sizes = [256, 64], strides = [1, 1]} : vector<256x3328xf32> to vector<256x64xf32>
    %slice3A_57 = vector.extract_strided_slice %get3A_40 {offsets = [0, 2176], sizes = [256, 64], strides = [1, 1]} : vector<256x3328xf32> to vector<256x64xf32>
    %slice3A_58 = vector.extract_strided_slice %get3A_40 {offsets = [0, 2304], sizes = [256, 64], strides = [1, 1]} : vector<256x3328xf32> to vector<256x64xf32>
    %slice3A_59 = vector.extract_strided_slice %get3A_40 {offsets = [0, 2432], sizes = [256, 64], strides = [1, 1]} : vector<256x3328xf32> to vector<256x64xf32>
    %slice3A_60 = vector.extract_strided_slice %get3A_40 {offsets = [0, 2560], sizes = [256, 64], strides = [1, 1]} : vector<256x3328xf32> to vector<256x64xf32>
    %slice3A_61 = vector.extract_strided_slice %get3A_40 {offsets = [0, 2688], sizes = [256, 64], strides = [1, 1]} : vector<256x3328xf32> to vector<256x64xf32>
    %slice3A_62 = vector.extract_strided_slice %get3A_40 {offsets = [0, 2816], sizes = [256, 64], strides = [1, 1]} : vector<256x3328xf32> to vector<256x64xf32>
    %slice3A_63 = vector.extract_strided_slice %get3A_40 {offsets = [0, 2944], sizes = [256, 64], strides = [1, 1]} : vector<256x3328xf32> to vector<256x64xf32>
    %slice3A_64 = vector.extract_strided_slice %get3A_40 {offsets = [0, 3072], sizes = [256, 64], strides = [1, 1]} : vector<256x3328xf32> to vector<256x64xf32>
    %slice3A_65 = vector.extract_strided_slice %get3A_40 {offsets = [0, 3200], sizes = [256, 64], strides = [1, 1]} : vector<256x3328xf32> to vector<256x64xf32>
    %stack3A = vector.shape_cast %max3A_37 : vector<256x64xf32> to vector<256x1x64xf32>
    %stack3A_66 = vector.shape_cast %slice3A : vector<256x64xf32> to vector<256x1x64xf32>
    %stack3A_67 = vector.shape_cast %slice3A_41 : vector<256x64xf32> to vector<256x1x64xf32>
    %stack3A_68 = vector.shape_cast %slice3A_42 : vector<256x64xf32> to vector<256x1x64xf32>
    %stack3A_69 = vector.shape_cast %slice3A_43 : vector<256x64xf32> to vector<256x1x64xf32>
    %stack3A_70 = vector.shape_cast %slice3A_44 : vector<256x64xf32> to vector<256x1x64xf32>
    %stack3A_71 = vector.shape_cast %slice3A_45 : vector<256x64xf32> to vector<256x1x64xf32>
    %stack3A_72 = vector.shape_cast %slice3A_46 : vector<256x64xf32> to vector<256x1x64xf32>
    %stack3A_73 = vector.shape_cast %slice3A_47 : vector<256x64xf32> to vector<256x1x64xf32>
    %stack3A_74 = vector.shape_cast %slice3A_48 : vector<256x64xf32> to vector<256x1x64xf32>
    %stack3A_75 = vector.shape_cast %slice3A_49 : vector<256x64xf32> to vector<256x1x64xf32>
    %stack3A_76 = vector.shape_cast %slice3A_50 : vector<256x64xf32> to vector<256x1x64xf32>
    %stack3A_77 = vector.shape_cast %slice3A_51 : vector<256x64xf32> to vector<256x1x64xf32>
    %stack3A_78 = vector.shape_cast %slice3A_52 : vector<256x64xf32> to vector<256x1x64xf32>
    %stack3A_79 = vector.shape_cast %slice3A_53 : vector<256x64xf32> to vector<256x1x64xf32>
    %stack3A_80 = vector.shape_cast %slice3A_54 : vector<256x64xf32> to vector<256x1x64xf32>
    %stack3A_81 = vector.shape_cast %slice3A_55 : vector<256x64xf32> to vector<256x1x64xf32>
    %stack3A_82 = vector.shape_cast %slice3A_56 : vector<256x64xf32> to vector<256x1x64xf32>
    %stack3A_83 = vector.shape_cast %slice3A_57 : vector<256x64xf32> to vector<256x1x64xf32>
    %stack3A_84 = vector.shape_cast %slice3A_58 : vector<256x64xf32> to vector<256x1x64xf32>
    %stack3A_85 = vector.shape_cast %slice3A_59 : vector<256x64xf32> to vector<256x1x64xf32>
    %stack3A_86 = vector.shape_cast %slice3A_60 : vector<256x64xf32> to vector<256x1x64xf32>
    %stack3A_87 = vector.shape_cast %slice3A_61 : vector<256x64xf32> to vector<256x1x64xf32>
    %stack3A_88 = vector.shape_cast %slice3A_62 : vector<256x64xf32> to vector<256x1x64xf32>
    %stack3A_89 = vector.shape_cast %slice3A_63 : vector<256x64xf32> to vector<256x1x64xf32>
    %stack3A_90 = vector.shape_cast %slice3A_64 : vector<256x64xf32> to vector<256x1x64xf32>
    %stack3A_91 = vector.shape_cast %slice3A_65 : vector<256x64xf32> to vector<256x1x64xf32>
    %stack3A_92 = tpu.concatenate %stack3A, %stack3A_66, %stack3A_67, %stack3A_68, %stack3A_69, %stack3A_70, %stack3A_71, %stack3A_72, %stack3A_73, %stack3A_74, %stack3A_75, %stack3A_76, %stack3A_77, %stack3A_78, %stack3A_79, %stack3A_80, %stack3A_81, %stack3A_82, %stack3A_83, %stack3A_84, %stack3A_85, %stack3A_86, %stack3A_87, %stack3A_88, %stack3A_89, %stack3A_90, %stack3A_91 in 1 : vector<256x1x64xf32>, vector<256x1x64xf32>, vector<256x1x64xf32>, vector<256x1x64xf32>, vector<256x1x64xf32>, vector<256x1x64xf32>, vector<256x1x64xf32>, vector<256x1x64xf32>, vector<256x1x64xf32>, vector<256x1x64xf32>, vector<256x1x64xf32>, vector<256x1x64xf32>, vector<256x1x64xf32>, vector<256x1x64xf32>, vector<256x1x64xf32>, vector<256x1x64xf32>, vector<256x1x64xf32>, vector<256x1x64xf32>, vector<256x1x64xf32>, vector<256x1x64xf32>, vector<256x1x64xf32>, vector<256x1x64xf32>, vector<256x1x64xf32>, vector<256x1x64xf32>, vector<256x1x64xf32>, vector<256x1x64xf32>, vector<256x1x64xf32> -> vector<256x27x64xf32>
    %slice3A_93 = vector.extract_strided_slice %stack3A_92 {offsets = [0, 1, 0], sizes = [256, 1, 64], strides = [1, 1, 1]} : vector<256x27x64xf32> to vector<256x1x64xf32>
    %squeeze3A = vector.shape_cast %slice3A_93 : vector<256x1x64xf32> to vector<256x64xf32>
    %slice3A_94 = vector.extract_strided_slice %stack3A_92 {offsets = [0, 0, 0], sizes = [256, 1, 64], strides = [1, 1, 1]} : vector<256x27x64xf32> to vector<256x1x64xf32>
    %broadcast_in_dim3A = vector.shape_cast %squeeze3A : vector<256x64xf32> to vector<256x1x64xf32>
    %mul3A = arith.mulf %slice3A_94, %broadcast_in_dim3A : vector<256x1x64xf32>
    %reduce_sum3A = arith.constant dense<0.000000e+00> : vector<256x1xf32>
    %reduce_sum3A_95 = vector.multi_reduction <add>, %mul3A, %reduce_sum3A [2] : vector<256x1x64xf32> to vector<256x1xf32>
    %slice3A_96 = vector.extract_strided_slice %stack3A_92 {offsets = [0, 2, 0], sizes = [256, 1, 64], strides = [1, 1, 1]} : vector<256x27x64xf32> to vector<256x1x64xf32>
    %squeeze3A_97 = vector.shape_cast %slice3A_96 : vector<256x1x64xf32> to vector<256x64xf32>
    %slice3A_98 = vector.extract_strided_slice %stack3A_92 {offsets = [0, 0, 0], sizes = [256, 2, 64], strides = [1, 1, 1]} : vector<256x27x64xf32> to vector<256x2x64xf32>
    %broadcast_in_dim3A_99 = vector.shape_cast %squeeze3A_97 : vector<256x64xf32> to vector<256x1x64xf32>
    %mul3A_100 = vector.broadcast %broadcast_in_dim3A_99 : vector<256x1x64xf32> to vector<256x2x64xf32>
    %mul3A_101 = arith.mulf %slice3A_98, %mul3A_100 : vector<256x2x64xf32>
    %reduce_sum3A_102 = arith.constant dense<0.000000e+00> : vector<256x2xf32>
    %reduce_sum3A_103 = vector.multi_reduction <add>, %mul3A_101, %reduce_sum3A_102 [2] : vector<256x2x64xf32> to vector<256x2xf32>
    %slice3A_104 = vector.extract_strided_slice %stack3A_92 {offsets = [0, 3, 0], sizes = [256, 1, 64], strides = [1, 1, 1]} : vector<256x27x64xf32> to vector<256x1x64xf32>
    %squeeze3A_105 = vector.shape_cast %slice3A_104 : vector<256x1x64xf32> to vector<256x64xf32>
    %slice3A_106 = vector.extract_strided_slice %stack3A_92 {offsets = [0, 0, 0], sizes = [256, 3, 64], strides = [1, 1, 1]} : vector<256x27x64xf32> to vector<256x3x64xf32>
    %broadcast_in_dim3A_107 = vector.shape_cast %squeeze3A_105 : vector<256x64xf32> to vector<256x1x64xf32>
    %mul3A_108 = vector.broadcast %broadcast_in_dim3A_107 : vector<256x1x64xf32> to vector<256x3x64xf32>
    %mul3A_109 = arith.mulf %slice3A_106, %mul3A_108 : vector<256x3x64xf32>
    %reduce_sum3A_110 = arith.constant dense<0.000000e+00> : vector<256x3xf32>
    %reduce_sum3A_111 = vector.multi_reduction <add>, %mul3A_109, %reduce_sum3A_110 [2] : vector<256x3x64xf32> to vector<256x3xf32>
    %slice3A_112 = vector.extract_strided_slice %stack3A_92 {offsets = [0, 4, 0], sizes = [256, 1, 64], strides = [1, 1, 1]} : vector<256x27x64xf32> to vector<256x1x64xf32>
    %squeeze3A_113 = vector.shape_cast %slice3A_112 : vector<256x1x64xf32> to vector<256x64xf32>
    %slice3A_114 = vector.extract_strided_slice %stack3A_92 {offsets = [0, 0, 0], sizes = [256, 4, 64], strides = [1, 1, 1]} : vector<256x27x64xf32> to vector<256x4x64xf32>
    %broadcast_in_dim3A_115 = vector.shape_cast %squeeze3A_113 : vector<256x64xf32> to vector<256x1x64xf32>
    %mul3A_116 = vector.broadcast %broadcast_in_dim3A_115 : vector<256x1x64xf32> to vector<256x4x64xf32>
    %mul3A_117 = arith.mulf %slice3A_114, %mul3A_116 : vector<256x4x64xf32>
    %reduce_sum3A_118 = arith.constant dense<0.000000e+00> : vector<256x4xf32>
    %reduce_sum3A_119 = vector.multi_reduction <add>, %mul3A_117, %reduce_sum3A_118 [2] : vector<256x4x64xf32> to vector<256x4xf32>
    %slice3A_120 = vector.extract_strided_slice %stack3A_92 {offsets = [0, 5, 0], sizes = [256, 1, 64], strides = [1, 1, 1]} : vector<256x27x64xf32> to vector<256x1x64xf32>
    %squeeze3A_121 = vector.shape_cast %slice3A_120 : vector<256x1x64xf32> to vector<256x64xf32>
    %slice3A_122 = vector.extract_strided_slice %stack3A_92 {offsets = [0, 0, 0], sizes = [256, 5, 64], strides = [1, 1, 1]} : vector<256x27x64xf32> to vector<256x5x64xf32>
    %broadcast_in_dim3A_123 = vector.shape_cast %squeeze3A_121 : vector<256x64xf32> to vector<256x1x64xf32>
    %mul3A_124 = vector.broadcast %broadcast_in_dim3A_123 : vector<256x1x64xf32> to vector<256x5x64xf32>
    %mul3A_125 = arith.mulf %slice3A_122, %mul3A_124 : vector<256x5x64xf32>
    %reduce_sum3A_126 = arith.constant dense<0.000000e+00> : vector<256x5xf32>
    %reduce_sum3A_127 = vector.multi_reduction <add>, %mul3A_125, %reduce_sum3A_126 [2] : vector<256x5x64xf32> to vector<256x5xf32>
    %slice3A_128 = vector.extract_strided_slice %stack3A_92 {offsets = [0, 6, 0], sizes = [256, 1, 64], strides = [1, 1, 1]} : vector<256x27x64xf32> to vector<256x1x64xf32>
    %squeeze3A_129 = vector.shape_cast %slice3A_128 : vector<256x1x64xf32> to vector<256x64xf32>
    %slice3A_130 = vector.extract_strided_slice %stack3A_92 {offsets = [0, 0, 0], sizes = [256, 6, 64], strides = [1, 1, 1]} : vector<256x27x64xf32> to vector<256x6x64xf32>
    %broadcast_in_dim3A_131 = vector.shape_cast %squeeze3A_129 : vector<256x64xf32> to vector<256x1x64xf32>
    %mul3A_132 = vector.broadcast %broadcast_in_dim3A_131 : vector<256x1x64xf32> to vector<256x6x64xf32>
    %mul3A_133 = arith.mulf %slice3A_130, %mul3A_132 : vector<256x6x64xf32>
    %reduce_sum3A_134 = arith.constant dense<0.000000e+00> : vector<256x6xf32>
    %reduce_sum3A_135 = vector.multi_reduction <add>, %mul3A_133, %reduce_sum3A_134 [2] : vector<256x6x64xf32> to vector<256x6xf32>
    %slice3A_136 = vector.extract_strided_slice %stack3A_92 {offsets = [0, 7, 0], sizes = [256, 1, 64], strides = [1, 1, 1]} : vector<256x27x64xf32> to vector<256x1x64xf32>
    %squeeze3A_137 = vector.shape_cast %slice3A_136 : vector<256x1x64xf32> to vector<256x64xf32>
    %slice3A_138 = vector.extract_strided_slice %stack3A_92 {offsets = [0, 0, 0], sizes = [256, 7, 64], strides = [1, 1, 1]} : vector<256x27x64xf32> to vector<256x7x64xf32>
    %broadcast_in_dim3A_139 = vector.shape_cast %squeeze3A_137 : vector<256x64xf32> to vector<256x1x64xf32>
    %mul3A_140 = vector.broadcast %broadcast_in_dim3A_139 : vector<256x1x64xf32> to vector<256x7x64xf32>
    %mul3A_141 = arith.mulf %slice3A_138, %mul3A_140 : vector<256x7x64xf32>
    %reduce_sum3A_142 = arith.constant dense<0.000000e+00> : vector<256x7xf32>
    %reduce_sum3A_143 = vector.multi_reduction <add>, %mul3A_141, %reduce_sum3A_142 [2] : vector<256x7x64xf32> to vector<256x7xf32>
    %slice3A_144 = vector.extract_strided_slice %stack3A_92 {offsets = [0, 8, 0], sizes = [256, 1, 64], strides = [1, 1, 1]} : vector<256x27x64xf32> to vector<256x1x64xf32>
    %squeeze3A_145 = vector.shape_cast %slice3A_144 : vector<256x1x64xf32> to vector<256x64xf32>
    %slice3A_146 = vector.extract_strided_slice %stack3A_92 {offsets = [0, 0, 0], sizes = [256, 8, 64], strides = [1, 1, 1]} : vector<256x27x64xf32> to vector<256x8x64xf32>
    %broadcast_in_dim3A_147 = vector.shape_cast %squeeze3A_145 : vector<256x64xf32> to vector<256x1x64xf32>
    %mul3A_148 = vector.broadcast %broadcast_in_dim3A_147 : vector<256x1x64xf32> to vector<256x8x64xf32>
    %mul3A_149 = arith.mulf %slice3A_146, %mul3A_148 : vector<256x8x64xf32>
    %reduce_sum3A_150 = arith.constant dense<0.000000e+00> : vector<256x8xf32>
    %reduce_sum3A_151 = vector.multi_reduction <add>, %mul3A_149, %reduce_sum3A_150 [2] : vector<256x8x64xf32> to vector<256x8xf32>
    %slice3A_152 = vector.extract_strided_slice %stack3A_92 {offsets = [0, 9, 0], sizes = [256, 1, 64], strides = [1, 1, 1]} : vector<256x27x64xf32> to vector<256x1x64xf32>
    %squeeze3A_153 = vector.shape_cast %slice3A_152 : vector<256x1x64xf32> to vector<256x64xf32>
    %slice3A_154 = vector.extract_strided_slice %stack3A_92 {offsets = [0, 0, 0], sizes = [256, 9, 64], strides = [1, 1, 1]} : vector<256x27x64xf32> to vector<256x9x64xf32>
    %broadcast_in_dim3A_155 = vector.shape_cast %squeeze3A_153 : vector<256x64xf32> to vector<256x1x64xf32>
    %mul3A_156 = vector.broadcast %broadcast_in_dim3A_155 : vector<256x1x64xf32> to vector<256x9x64xf32>
    %mul3A_157 = arith.mulf %slice3A_154, %mul3A_156 : vector<256x9x64xf32>
    %reduce_sum3A_158 = arith.constant dense<0.000000e+00> : vector<256x9xf32>
    %reduce_sum3A_159 = vector.multi_reduction <add>, %mul3A_157, %reduce_sum3A_158 [2] : vector<256x9x64xf32> to vector<256x9xf32>
    %slice3A_160 = vector.extract_strided_slice %stack3A_92 {offsets = [0, 10, 0], sizes = [256, 1, 64], strides = [1, 1, 1]} : vector<256x27x64xf32> to vector<256x1x64xf32>
    %squeeze3A_161 = vector.shape_cast %slice3A_160 : vector<256x1x64xf32> to vector<256x64xf32>
    %slice3A_162 = vector.extract_strided_slice %stack3A_92 {offsets = [0, 0, 0], sizes = [256, 10, 64], strides = [1, 1, 1]} : vector<256x27x64xf32> to vector<256x10x64xf32>
    %broadcast_in_dim3A_163 = vector.shape_cast %squeeze3A_161 : vector<256x64xf32> to vector<256x1x64xf32>
    %mul3A_164 = vector.broadcast %broadcast_in_dim3A_163 : vector<256x1x64xf32> to vector<256x10x64xf32>
    %mul3A_165 = arith.mulf %slice3A_162, %mul3A_164 : vector<256x10x64xf32>
    %reduce_sum3A_166 = arith.constant dense<0.000000e+00> : vector<256x10xf32>
    %reduce_sum3A_167 = vector.multi_reduction <add>, %mul3A_165, %reduce_sum3A_166 [2] : vector<256x10x64xf32> to vector<256x10xf32>
    %slice3A_168 = vector.extract_strided_slice %stack3A_92 {offsets = [0, 11, 0], sizes = [256, 1, 64], strides = [1, 1, 1]} : vector<256x27x64xf32> to vector<256x1x64xf32>
    %squeeze3A_169 = vector.shape_cast %slice3A_168 : vector<256x1x64xf32> to vector<256x64xf32>
    %slice3A_170 = vector.extract_strided_slice %stack3A_92 {offsets = [0, 0, 0], sizes = [256, 11, 64], strides = [1, 1, 1]} : vector<256x27x64xf32> to vector<256x11x64xf32>
    %broadcast_in_dim3A_171 = vector.shape_cast %squeeze3A_169 : vector<256x64xf32> to vector<256x1x64xf32>
    %mul3A_172 = vector.broadcast %broadcast_in_dim3A_171 : vector<256x1x64xf32> to vector<256x11x64xf32>
    %mul3A_173 = arith.mulf %slice3A_170, %mul3A_172 : vector<256x11x64xf32>
    %reduce_sum3A_174 = arith.constant dense<0.000000e+00> : vector<256x11xf32>
    %reduce_sum3A_175 = vector.multi_reduction <add>, %mul3A_173, %reduce_sum3A_174 [2] : vector<256x11x64xf32> to vector<256x11xf32>
    %slice3A_176 = vector.extract_strided_slice %stack3A_92 {offsets = [0, 12, 0], sizes = [256, 1, 64], strides = [1, 1, 1]} : vector<256x27x64xf32> to vector<256x1x64xf32>
    %squeeze3A_177 = vector.shape_cast %slice3A_176 : vector<256x1x64xf32> to vector<256x64xf32>
    %slice3A_178 = vector.extract_strided_slice %stack3A_92 {offsets = [0, 0, 0], sizes = [256, 12, 64], strides = [1, 1, 1]} : vector<256x27x64xf32> to vector<256x12x64xf32>
    %broadcast_in_dim3A_179 = vector.shape_cast %squeeze3A_177 : vector<256x64xf32> to vector<256x1x64xf32>
    %mul3A_180 = vector.broadcast %broadcast_in_dim3A_179 : vector<256x1x64xf32> to vector<256x12x64xf32>
    %mul3A_181 = arith.mulf %slice3A_178, %mul3A_180 : vector<256x12x64xf32>
    %reduce_sum3A_182 = arith.constant dense<0.000000e+00> : vector<256x12xf32>
    %reduce_sum3A_183 = vector.multi_reduction <add>, %mul3A_181, %reduce_sum3A_182 [2] : vector<256x12x64xf32> to vector<256x12xf32>
    %slice3A_184 = vector.extract_strided_slice %stack3A_92 {offsets = [0, 13, 0], sizes = [256, 1, 64], strides = [1, 1, 1]} : vector<256x27x64xf32> to vector<256x1x64xf32>
    %squeeze3A_185 = vector.shape_cast %slice3A_184 : vector<256x1x64xf32> to vector<256x64xf32>
    %slice3A_186 = vector.extract_strided_slice %stack3A_92 {offsets = [0, 0, 0], sizes = [256, 13, 64], strides = [1, 1, 1]} : vector<256x27x64xf32> to vector<256x13x64xf32>
    %broadcast_in_dim3A_187 = vector.shape_cast %squeeze3A_185 : vector<256x64xf32> to vector<256x1x64xf32>
    %mul3A_188 = vector.broadcast %broadcast_in_dim3A_187 : vector<256x1x64xf32> to vector<256x13x64xf32>
    %mul3A_189 = arith.mulf %slice3A_186, %mul3A_188 : vector<256x13x64xf32>
    %reduce_sum3A_190 = arith.constant dense<0.000000e+00> : vector<256x13xf32>
    %reduce_sum3A_191 = vector.multi_reduction <add>, %mul3A_189, %reduce_sum3A_190 [2] : vector<256x13x64xf32> to vector<256x13xf32>
    %slice3A_192 = vector.extract_strided_slice %stack3A_92 {offsets = [0, 14, 0], sizes = [256, 1, 64], strides = [1, 1, 1]} : vector<256x27x64xf32> to vector<256x1x64xf32>
    %squeeze3A_193 = vector.shape_cast %slice3A_192 : vector<256x1x64xf32> to vector<256x64xf32>
    %slice3A_194 = vector.extract_strided_slice %stack3A_92 {offsets = [0, 0, 0], sizes = [256, 14, 64], strides = [1, 1, 1]} : vector<256x27x64xf32> to vector<256x14x64xf32>
    %broadcast_in_dim3A_195 = vector.shape_cast %squeeze3A_193 : vector<256x64xf32> to vector<256x1x64xf32>
    %mul3A_196 = vector.broadcast %broadcast_in_dim3A_195 : vector<256x1x64xf32> to vector<256x14x64xf32>
    %mul3A_197 = arith.mulf %slice3A_194, %mul3A_196 : vector<256x14x64xf32>
    %reduce_sum3A_198 = arith.constant dense<0.000000e+00> : vector<256x14xf32>
    %reduce_sum3A_199 = vector.multi_reduction <add>, %mul3A_197, %reduce_sum3A_198 [2] : vector<256x14x64xf32> to vector<256x14xf32>
    %slice3A_200 = vector.extract_strided_slice %stack3A_92 {offsets = [0, 15, 0], sizes = [256, 1, 64], strides = [1, 1, 1]} : vector<256x27x64xf32> to vector<256x1x64xf32>
    %squeeze3A_201 = vector.shape_cast %slice3A_200 : vector<256x1x64xf32> to vector<256x64xf32>
    %slice3A_202 = vector.extract_strided_slice %stack3A_92 {offsets = [0, 0, 0], sizes = [256, 15, 64], strides = [1, 1, 1]} : vector<256x27x64xf32> to vector<256x15x64xf32>
    %broadcast_in_dim3A_203 = vector.shape_cast %squeeze3A_201 : vector<256x64xf32> to vector<256x1x64xf32>
    %mul3A_204 = vector.broadcast %broadcast_in_dim3A_203 : vector<256x1x64xf32> to vector<256x15x64xf32>
    %mul3A_205 = arith.mulf %slice3A_202, %mul3A_204 : vector<256x15x64xf32>
    %reduce_sum3A_206 = arith.constant dense<0.000000e+00> : vector<256x15xf32>
    %reduce_sum3A_207 = vector.multi_reduction <add>, %mul3A_205, %reduce_sum3A_206 [2] : vector<256x15x64xf32> to vector<256x15xf32>
    %slice3A_208 = vector.extract_strided_slice %stack3A_92 {offsets = [0, 16, 0], sizes = [256, 1, 64], strides = [1, 1, 1]} : vector<256x27x64xf32> to vector<256x1x64xf32>
    %squeeze3A_209 = vector.shape_cast %slice3A_208 : vector<256x1x64xf32> to vector<256x64xf32>
    %slice3A_210 = vector.extract_strided_slice %stack3A_92 {offsets = [0, 0, 0], sizes = [256, 16, 64], strides = [1, 1, 1]} : vector<256x27x64xf32> to vector<256x16x64xf32>
    %broadcast_in_dim3A_211 = vector.shape_cast %squeeze3A_209 : vector<256x64xf32> to vector<256x1x64xf32>
    %mul3A_212 = vector.broadcast %broadcast_in_dim3A_211 : vector<256x1x64xf32> to vector<256x16x64xf32>
    %mul3A_213 = arith.mulf %slice3A_210, %mul3A_212 : vector<256x16x64xf32>
    %reduce_sum3A_214 = arith.constant dense<0.000000e+00> : vector<256x16xf32>
    %reduce_sum3A_215 = vector.multi_reduction <add>, %mul3A_213, %reduce_sum3A_214 [2] : vector<256x16x64xf32> to vector<256x16xf32>
    %slice3A_216 = vector.extract_strided_slice %stack3A_92 {offsets = [0, 17, 0], sizes = [256, 1, 64], strides = [1, 1, 1]} : vector<256x27x64xf32> to vector<256x1x64xf32>
    %squeeze3A_217 = vector.shape_cast %slice3A_216 : vector<256x1x64xf32> to vector<256x64xf32>
    %slice3A_218 = vector.extract_strided_slice %stack3A_92 {offsets = [0, 0, 0], sizes = [256, 17, 64], strides = [1, 1, 1]} : vector<256x27x64xf32> to vector<256x17x64xf32>
    %broadcast_in_dim3A_219 = vector.shape_cast %squeeze3A_217 : vector<256x64xf32> to vector<256x1x64xf32>
    %mul3A_220 = vector.broadcast %broadcast_in_dim3A_219 : vector<256x1x64xf32> to vector<256x17x64xf32>
    %mul3A_221 = arith.mulf %slice3A_218, %mul3A_220 : vector<256x17x64xf32>
    %reduce_sum3A_222 = arith.constant dense<0.000000e+00> : vector<256x17xf32>
    %reduce_sum3A_223 = vector.multi_reduction <add>, %mul3A_221, %reduce_sum3A_222 [2] : vector<256x17x64xf32> to vector<256x17xf32>
    %slice3A_224 = vector.extract_strided_slice %stack3A_92 {offsets = [0, 18, 0], sizes = [256, 1, 64], strides = [1, 1, 1]} : vector<256x27x64xf32> to vector<256x1x64xf32>
    %squeeze3A_225 = vector.shape_cast %slice3A_224 : vector<256x1x64xf32> to vector<256x64xf32>
    %slice3A_226 = vector.extract_strided_slice %stack3A_92 {offsets = [0, 0, 0], sizes = [256, 18, 64], strides = [1, 1, 1]} : vector<256x27x64xf32> to vector<256x18x64xf32>
    %broadcast_in_dim3A_227 = vector.shape_cast %squeeze3A_225 : vector<256x64xf32> to vector<256x1x64xf32>
    %mul3A_228 = vector.broadcast %broadcast_in_dim3A_227 : vector<256x1x64xf32> to vector<256x18x64xf32>
    %mul3A_229 = arith.mulf %slice3A_226, %mul3A_228 : vector<256x18x64xf32>
    %reduce_sum3A_230 = arith.constant dense<0.000000e+00> : vector<256x18xf32>
    %reduce_sum3A_231 = vector.multi_reduction <add>, %mul3A_229, %reduce_sum3A_230 [2] : vector<256x18x64xf32> to vector<256x18xf32>
    %slice3A_232 = vector.extract_strided_slice %stack3A_92 {offsets = [0, 19, 0], sizes = [256, 1, 64], strides = [1, 1, 1]} : vector<256x27x64xf32> to vector<256x1x64xf32>
    %squeeze3A_233 = vector.shape_cast %slice3A_232 : vector<256x1x64xf32> to vector<256x64xf32>
    %slice3A_234 = vector.extract_strided_slice %stack3A_92 {offsets = [0, 0, 0], sizes = [256, 19, 64], strides = [1, 1, 1]} : vector<256x27x64xf32> to vector<256x19x64xf32>
    %broadcast_in_dim3A_235 = vector.shape_cast %squeeze3A_233 : vector<256x64xf32> to vector<256x1x64xf32>
    %mul3A_236 = vector.broadcast %broadcast_in_dim3A_235 : vector<256x1x64xf32> to vector<256x19x64xf32>
    %mul3A_237 = arith.mulf %slice3A_234, %mul3A_236 : vector<256x19x64xf32>
    %reduce_sum3A_238 = arith.constant dense<0.000000e+00> : vector<256x19xf32>
    %reduce_sum3A_239 = vector.multi_reduction <add>, %mul3A_237, %reduce_sum3A_238 [2] : vector<256x19x64xf32> to vector<256x19xf32>
    %slice3A_240 = vector.extract_strided_slice %stack3A_92 {offsets = [0, 20, 0], sizes = [256, 1, 64], strides = [1, 1, 1]} : vector<256x27x64xf32> to vector<256x1x64xf32>
    %squeeze3A_241 = vector.shape_cast %slice3A_240 : vector<256x1x64xf32> to vector<256x64xf32>
    %slice3A_242 = vector.extract_strided_slice %stack3A_92 {offsets = [0, 0, 0], sizes = [256, 20, 64], strides = [1, 1, 1]} : vector<256x27x64xf32> to vector<256x20x64xf32>
    %broadcast_in_dim3A_243 = vector.shape_cast %squeeze3A_241 : vector<256x64xf32> to vector<256x1x64xf32>
    %mul3A_244 = vector.broadcast %broadcast_in_dim3A_243 : vector<256x1x64xf32> to vector<256x20x64xf32>
    %mul3A_245 = arith.mulf %slice3A_242, %mul3A_244 : vector<256x20x64xf32>
    %reduce_sum3A_246 = arith.constant dense<0.000000e+00> : vector<256x20xf32>
    %reduce_sum3A_247 = vector.multi_reduction <add>, %mul3A_245, %reduce_sum3A_246 [2] : vector<256x20x64xf32> to vector<256x20xf32>
    %slice3A_248 = vector.extract_strided_slice %stack3A_92 {offsets = [0, 21, 0], sizes = [256, 1, 64], strides = [1, 1, 1]} : vector<256x27x64xf32> to vector<256x1x64xf32>
    %squeeze3A_249 = vector.shape_cast %slice3A_248 : vector<256x1x64xf32> to vector<256x64xf32>
    %slice3A_250 = vector.extract_strided_slice %stack3A_92 {offsets = [0, 0, 0], sizes = [256, 21, 64], strides = [1, 1, 1]} : vector<256x27x64xf32> to vector<256x21x64xf32>
    %broadcast_in_dim3A_251 = vector.shape_cast %squeeze3A_249 : vector<256x64xf32> to vector<256x1x64xf32>
    %mul3A_252 = vector.broadcast %broadcast_in_dim3A_251 : vector<256x1x64xf32> to vector<256x21x64xf32>
    %mul3A_253 = arith.mulf %slice3A_250, %mul3A_252 : vector<256x21x64xf32>
    %reduce_sum3A_254 = arith.constant dense<0.000000e+00> : vector<256x21xf32>
    %reduce_sum3A_255 = vector.multi_reduction <add>, %mul3A_253, %reduce_sum3A_254 [2] : vector<256x21x64xf32> to vector<256x21xf32>
    %slice3A_256 = vector.extract_strided_slice %stack3A_92 {offsets = [0, 22, 0], sizes = [256, 1, 64], strides = [1, 1, 1]} : vector<256x27x64xf32> to vector<256x1x64xf32>
    %squeeze3A_257 = vector.shape_cast %slice3A_256 : vector<256x1x64xf32> to vector<256x64xf32>
    %slice3A_258 = vector.extract_strided_slice %stack3A_92 {offsets = [0, 0, 0], sizes = [256, 22, 64], strides = [1, 1, 1]} : vector<256x27x64xf32> to vector<256x22x64xf32>
    %broadcast_in_dim3A_259 = vector.shape_cast %squeeze3A_257 : vector<256x64xf32> to vector<256x1x64xf32>
    %mul3A_260 = vector.broadcast %broadcast_in_dim3A_259 : vector<256x1x64xf32> to vector<256x22x64xf32>
    %mul3A_261 = arith.mulf %slice3A_258, %mul3A_260 : vector<256x22x64xf32>
    %reduce_sum3A_262 = arith.constant dense<0.000000e+00> : vector<256x22xf32>
    %reduce_sum3A_263 = vector.multi_reduction <add>, %mul3A_261, %reduce_sum3A_262 [2] : vector<256x22x64xf32> to vector<256x22xf32>
    %slice3A_264 = vector.extract_strided_slice %stack3A_92 {offsets = [0, 23, 0], sizes = [256, 1, 64], strides = [1, 1, 1]} : vector<256x27x64xf32> to vector<256x1x64xf32>
    %squeeze3A_265 = vector.shape_cast %slice3A_264 : vector<256x1x64xf32> to vector<256x64xf32>
    %slice3A_266 = vector.extract_strided_slice %stack3A_92 {offsets = [0, 0, 0], sizes = [256, 23, 64], strides = [1, 1, 1]} : vector<256x27x64xf32> to vector<256x23x64xf32>
    %broadcast_in_dim3A_267 = vector.shape_cast %squeeze3A_265 : vector<256x64xf32> to vector<256x1x64xf32>
    %mul3A_268 = vector.broadcast %broadcast_in_dim3A_267 : vector<256x1x64xf32> to vector<256x23x64xf32>
    %mul3A_269 = arith.mulf %slice3A_266, %mul3A_268 : vector<256x23x64xf32>
    %reduce_sum3A_270 = arith.constant dense<0.000000e+00> : vector<256x23xf32>
    %reduce_sum3A_271 = vector.multi_reduction <add>, %mul3A_269, %reduce_sum3A_270 [2] : vector<256x23x64xf32> to vector<256x23xf32>
    %slice3A_272 = vector.extract_strided_slice %stack3A_92 {offsets = [0, 24, 0], sizes = [256, 1, 64], strides = [1, 1, 1]} : vector<256x27x64xf32> to vector<256x1x64xf32>
    %squeeze3A_273 = vector.shape_cast %slice3A_272 : vector<256x1x64xf32> to vector<256x64xf32>
    %slice3A_274 = vector.extract_strided_slice %stack3A_92 {offsets = [0, 0, 0], sizes = [256, 24, 64], strides = [1, 1, 1]} : vector<256x27x64xf32> to vector<256x24x64xf32>
    %broadcast_in_dim3A_275 = vector.shape_cast %squeeze3A_273 : vector<256x64xf32> to vector<256x1x64xf32>
    %mul3A_276 = vector.broadcast %broadcast_in_dim3A_275 : vector<256x1x64xf32> to vector<256x24x64xf32>
    %mul3A_277 = arith.mulf %slice3A_274, %mul3A_276 : vector<256x24x64xf32>
    %reduce_sum3A_278 = arith.constant dense<0.000000e+00> : vector<256x24xf32>
    %reduce_sum3A_279 = vector.multi_reduction <add>, %mul3A_277, %reduce_sum3A_278 [2] : vector<256x24x64xf32> to vector<256x24xf32>
    %slice3A_280 = vector.extract_strided_slice %stack3A_92 {offsets = [0, 25, 0], sizes = [256, 1, 64], strides = [1, 1, 1]} : vector<256x27x64xf32> to vector<256x1x64xf32>
    %squeeze3A_281 = vector.shape_cast %slice3A_280 : vector<256x1x64xf32> to vector<256x64xf32>
    %slice3A_282 = vector.extract_strided_slice %stack3A_92 {offsets = [0, 0, 0], sizes = [256, 25, 64], strides = [1, 1, 1]} : vector<256x27x64xf32> to vector<256x25x64xf32>
    %broadcast_in_dim3A_283 = vector.shape_cast %squeeze3A_281 : vector<256x64xf32> to vector<256x1x64xf32>
    %mul3A_284 = vector.broadcast %broadcast_in_dim3A_283 : vector<256x1x64xf32> to vector<256x25x64xf32>
    %mul3A_285 = arith.mulf %slice3A_282, %mul3A_284 : vector<256x25x64xf32>
    %reduce_sum3A_286 = arith.constant dense<0.000000e+00> : vector<256x25xf32>
    %reduce_sum3A_287 = vector.multi_reduction <add>, %mul3A_285, %reduce_sum3A_286 [2] : vector<256x25x64xf32> to vector<256x25xf32>
    %slice3A_288 = vector.extract_strided_slice %stack3A_92 {offsets = [0, 26, 0], sizes = [256, 1, 64], strides = [1, 1, 1]} : vector<256x27x64xf32> to vector<256x1x64xf32>
    %squeeze3A_289 = vector.shape_cast %slice3A_288 : vector<256x1x64xf32> to vector<256x64xf32>
    %slice3A_290 = vector.extract_strided_slice %stack3A_92 {offsets = [0, 0, 0], sizes = [256, 26, 64], strides = [1, 1, 1]} : vector<256x27x64xf32> to vector<256x26x64xf32>
    %broadcast_in_dim3A_291 = vector.shape_cast %squeeze3A_289 : vector<256x64xf32> to vector<256x1x64xf32>
    %mul3A_292 = vector.broadcast %broadcast_in_dim3A_291 : vector<256x1x64xf32> to vector<256x26x64xf32>
    %mul3A_293 = arith.mulf %slice3A_290, %mul3A_292 : vector<256x26x64xf32>
    %reduce_sum3A_294 = arith.constant dense<0.000000e+00> : vector<256x26xf32>
    %reduce_sum3A_295 = vector.multi_reduction <add>, %mul3A_293, %reduce_sum3A_294 [2] : vector<256x26x64xf32> to vector<256x26xf32>
    %concatenate3A = tpu.concatenate %max3A_37, %reduce_sum3A_95, %reduce_sum3A_103, %reduce_sum3A_111, %reduce_sum3A_119, %reduce_sum3A_127, %reduce_sum3A_135, %reduce_sum3A_143, %reduce_sum3A_151, %reduce_sum3A_159, %reduce_sum3A_167, %reduce_sum3A_175, %reduce_sum3A_183, %reduce_sum3A_191, %reduce_sum3A_199, %reduce_sum3A_207, %reduce_sum3A_215, %reduce_sum3A_223, %reduce_sum3A_231, %reduce_sum3A_239, %reduce_sum3A_247, %reduce_sum3A_255, %reduce_sum3A_263, %reduce_sum3A_271, %reduce_sum3A_279, %reduce_sum3A_287, %reduce_sum3A_295 in 1 : vector<256x64xf32>, vector<256x1xf32>, vector<256x2xf32>, vector<256x3xf32>, vector<256x4xf32>, vector<256x5xf32>, vector<256x6xf32>, vector<256x7xf32>, vector<256x8xf32>, vector<256x9xf32>, vector<256x10xf32>, vector<256x11xf32>, vector<256x12xf32>, vector<256x13xf32>, vector<256x14xf32>, vector<256x15xf32>, vector<256x16xf32>, vector<256x17xf32>, vector<256x18xf32>, vector<256x19xf32>, vector<256x20xf32>, vector<256x21xf32>, vector<256x22xf32>, vector<256x23xf32>, vector<256x24xf32>, vector<256x25xf32>, vector<256x26xf32> -> vector<256x415xf32>
    %get3A_296 = arith.constant 0 : index
    %get3A_297 = arith.constant 0 : index
    %get3A_298 = vector.load %arg9[%get3A_296, %get3A_297] : memref<415x512xf32, #tpu.memory_space<vmem>>, vector<415x512xf32>
    %dot_general3A_299 = arith.constant dense<0.000000e+00> : vector<256x512xf32>
    %dot_general3A_300 = tpu.matmul %concatenate3A, %get3A_298, %dot_general3A_299 {dimension_numbers = #tpu.dot_dimension_numbers<[1], [0], [0], [1], [0, 0, 1, 1], [], []>, transpose_lhs_hint = false} : vector<256x415xf32>, vector<415x512xf32>, vector<256x512xf32> -> vector<256x512xf32>
    %get3A_301 = arith.constant 0 : index
    %get3A_302 = arith.constant 0 : index
    %get3A_303 = vector.load %arg10[%get3A_301, %get3A_302] : memref<1x512xf32, #tpu.memory_space<vmem>>, vector<1x512xf32>
    %add3A_304 = vector.broadcast %get3A_303 : vector<1x512xf32> to vector<256x512xf32>
    %add3A_305 = arith.addf %dot_general3A_300, %add3A_304 : vector<256x512xf32>
    %max3A_306 = arith.constant 0.000000e+00 : f32
    %max3A_307 = vector.broadcast %max3A_306 : f32 to vector<256x512xf32>
    %max3A_308 = arith.maximumf %add3A_305, %max3A_307 : vector<256x512xf32>
    %get3A_309 = arith.constant 0 : index
    %get3A_310 = arith.constant 0 : index
    %get3A_311 = vector.load %arg11[%get3A_309, %get3A_310] : memref<512x512xf32, #tpu.memory_space<vmem>>, vector<512x512xf32>
    %dot_general3A_312 = arith.constant dense<0.000000e+00> : vector<256x512xf32>
    %dot_general3A_313 = tpu.matmul %max3A_308, %get3A_311, %dot_general3A_312 {dimension_numbers = #tpu.dot_dimension_numbers<[1], [0], [0], [1], [0, 0, 1, 1], [], []>, transpose_lhs_hint = false} : vector<256x512xf32>, vector<512x512xf32>, vector<256x512xf32> -> vector<256x512xf32>
    %get3A_314 = arith.constant 0 : index
    %get3A_315 = arith.constant 0 : index
    %get3A_316 = vector.load %arg12[%get3A_314, %get3A_315] : memref<1x512xf32, #tpu.memory_space<vmem>>, vector<1x512xf32>
    %add3A_317 = vector.broadcast %get3A_316 : vector<1x512xf32> to vector<256x512xf32>
    %add3A_318 = arith.addf %dot_general3A_313, %add3A_317 : vector<256x512xf32>
    %max3A_319 = arith.constant 0.000000e+00 : f32
    %max3A_320 = vector.broadcast %max3A_319 : f32 to vector<256x512xf32>
    %max3A_321 = arith.maximumf %add3A_318, %max3A_320 : vector<256x512xf32>
    %get3A_322 = arith.constant 0 : index
    %get3A_323 = arith.constant 0 : index
    %get3A_324 = vector.load %arg13[%get3A_322, %get3A_323] : memref<512x256xf32, #tpu.memory_space<vmem>>, vector<512x256xf32>
    %dot_general3A_325 = arith.constant dense<0.000000e+00> : vector<256x256xf32>
    %dot_general3A_326 = tpu.matmul %max3A_321, %get3A_324, %dot_general3A_325 {dimension_numbers = #tpu.dot_dimension_numbers<[1], [0], [0], [1], [0, 0, 1, 1], [], []>, transpose_lhs_hint = false} : vector<256x512xf32>, vector<512x256xf32>, vector<256x256xf32> -> vector<256x256xf32>
    %get3A_327 = arith.constant 0 : index
    %get3A_328 = arith.constant 0 : index
    %get3A_329 = vector.load %arg14[%get3A_327, %get3A_328] : memref<1x256xf32, #tpu.memory_space<vmem>>, vector<1x256xf32>
    %add3A_330 = vector.broadcast %get3A_329 : vector<1x256xf32> to vector<256x256xf32>
    %add3A_331 = arith.addf %dot_general3A_326, %add3A_330 : vector<256x256xf32>
    %max3A_332 = arith.constant 0.000000e+00 : f32
    %max3A_333 = vector.broadcast %max3A_332 : f32 to vector<256x256xf32>
    %max3A_334 = arith.maximumf %add3A_331, %max3A_333 : vector<256x256xf32>
    %get3A_335 = arith.constant 0 : index
    %get3A_336 = arith.constant 0 : index
    %get3A_337 = vector.load %arg15[%get3A_335, %get3A_336] : memref<256x1xf32, #tpu.memory_space<vmem>>, vector<256x1xf32>
    %dot_general3A_338 = arith.constant dense<0.000000e+00> : vector<256x1xf32>
    %dot_general3A_339 = tpu.matmul %max3A_334, %get3A_337, %dot_general3A_338 {dimension_numbers = #tpu.dot_dimension_numbers<[1], [0], [0], [1], [0, 0, 1, 1], [], []>, transpose_lhs_hint = false} : vector<256x256xf32>, vector<256x1xf32>, vector<256x1xf32> -> vector<256x1xf32>
    %get3A_340 = arith.constant 0 : index
    %get3A_341 = arith.constant 0 : index
    %get3A_342 = vector.load %arg16[%get3A_340, %get3A_341] : memref<1x1xf32, #tpu.memory_space<vmem>>, vector<1x1xf32>
    %add3A_343 = vector.broadcast %get3A_342 : vector<1x1xf32> to vector<256x1xf32>
    %add3A_344 = arith.addf %dot_general3A_339, %add3A_343 : vector<256x1xf32>
    %swap3A = arith.constant 0 : index
    %swap3A_345 = arith.constant 0 : index
    %swap3A_346 = vector.load %arg17[%swap3A, %swap3A_345] : memref<256x1xf32, #tpu.memory_space<vmem>>, vector<256x1xf32>
    tpu.vector_store %arg17[%swap3A, %swap3A_345], %add3A_344 {strides = array<i32>} : memref<256x1xf32, #tpu.memory_space<vmem>>, vector<256x1xf32>,
    return
  }
  func.func @transform_0(%arg0: i32) -> (i32, i32) {
    %c0_i32 = arith.constant 0 : i32
    %c0_i32_0 = arith.constant 0 : i32
    return %arg0, %c0_i32 : i32, i32
  }
  func.func @transform_1(%arg0: i32) -> (i32, i32) {
    %c0_i32 = arith.constant 0 : i32
    %c0_i32_0 = arith.constant 0 : i32
    return %arg0, %c0_i32 : i32, i32
  }
  func.func @transform_2(%arg0: i32) -> (i32, i32) {
    %c0_i32 = arith.constant 0 : i32
    %c0_i32_0 = arith.constant 0 : i32
    %c0_i32_1 = arith.constant 0 : i32
    return %c0_i32, %c0_i32_0 : i32, i32
  }
  func.func @transform_3(%arg0: i32) -> (i32, i32) {
    %c0_i32 = arith.constant 0 : i32
    %c0_i32_0 = arith.constant 0 : i32
    %c0_i32_1 = arith.constant 0 : i32
    return %c0_i32, %c0_i32_0 : i32, i32
  }
  func.func @transform_4(%arg0: i32) -> (i32, i32) {
    %c0_i32 = arith.constant 0 : i32
    %c0_i32_0 = arith.constant 0 : i32
    %c0_i32_1 = arith.constant 0 : i32
    return %c0_i32, %c0_i32_0 : i32, i32
  }
  func.func @transform_5(%arg0: i32) -> (i32, i32) {
    %c0_i32 = arith.constant 0 : i32
    %c0_i32_0 = arith.constant 0 : i32
    %c0_i32_1 = arith.constant 0 : i32
    return %c0_i32, %c0_i32_0 : i32, i32
  }
  func.func @transform_6(%arg0: i32) -> (i32, i32) {
    %c0_i32 = arith.constant 0 : i32
    %c0_i32_0 = arith.constant 0 : i32
    %c0_i32_1 = arith.constant 0 : i32
    return %c0_i32, %c0_i32_0 : i32, i32
  }
  func.func @transform_7(%arg0: i32) -> (i32, i32) {
    %c0_i32 = arith.constant 0 : i32
    %c0_i32_0 = arith.constant 0 : i32
    %c0_i32_1 = arith.constant 0 : i32
    return %c0_i32, %c0_i32_0 : i32, i32
  }
  func.func @transform_8(%arg0: i32) -> (i32, i32) {
    %c0_i32 = arith.constant 0 : i32
    %c0_i32_0 = arith.constant 0 : i32
    %c0_i32_1 = arith.constant 0 : i32
    return %c0_i32, %c0_i32_0 : i32, i32
  }
  func.func @transform_9(%arg0: i32) -> (i32, i32) {
    %c0_i32 = arith.constant 0 : i32
    %c0_i32_0 = arith.constant 0 : i32
    %c0_i32_1 = arith.constant 0 : i32
    return %c0_i32, %c0_i32_0 : i32, i32
  }
  func.func @transform_10(%arg0: i32) -> (i32, i32) {
    %c0_i32 = arith.constant 0 : i32
    %c0_i32_0 = arith.constant 0 : i32
    %c0_i32_1 = arith.constant 0 : i32
    return %c0_i32, %c0_i32_0 : i32, i32
  }
  func.func @transform_11(%arg0: i32) -> (i32, i32) {
    %c0_i32 = arith.constant 0 : i32
    %c0_i32_0 = arith.constant 0 : i32
    %c0_i32_1 = arith.constant 0 : i32
    return %c0_i32, %c0_i32_0 : i32, i32
  }
  func.func @transform_12(%arg0: i32) -> (i32, i32) {
    %c0_i32 = arith.constant 0 : i32
    %c0_i32_0 = arith.constant 0 : i32
    %c0_i32_1 = arith.constant 0 : i32
    return %c0_i32, %c0_i32_0 : i32, i32
  }
  func.func @transform_13(%arg0: i32) -> (i32, i32) {
    %c0_i32 = arith.constant 0 : i32
    %c0_i32_0 = arith.constant 0 : i32
    %c0_i32_1 = arith.constant 0 : i32
    return %c0_i32, %c0_i32_0 : i32, i32
  }
  func.func @transform_14(%arg0: i32) -> (i32, i32) {
    %c0_i32 = arith.constant 0 : i32
    %c0_i32_0 = arith.constant 0 : i32
    %c0_i32_1 = arith.constant 0 : i32
    return %c0_i32, %c0_i32_0 : i32, i32
  }
  func.func @transform_15(%arg0: i32) -> (i32, i32) {
    %c0_i32 = arith.constant 0 : i32
    %c0_i32_0 = arith.constant 0 : i32
    %c0_i32_1 = arith.constant 0 : i32
    return %c0_i32, %c0_i32_0 : i32, i32
  }
  func.func @transform_16(%arg0: i32) -> (i32, i32) {
    %c0_i32 = arith.constant 0 : i32
    %c0_i32_0 = arith.constant 0 : i32
    return %arg0, %c0_i32 : i32, i32
  }
}

</mosaic_0001>

<sc_bundles>
// kernel: kernel.4.cloned.1.call-start
scs
__scs_entry_jumppad:
0x0: {  	(pc) =	sbr.rel $0x88, $3  }
0x1: {  	(tag) =	ssettag $0x0;
	lr =	simm.s32 $0x1  }
0x2: {  	[smem:$0x3F90] =	sst lr;
	_ =	strace $0xD0000000  }
0x3: {  	_ = 	snop  }
0x4: {  	_ = 	snop  }
0x5: {  	_ = 	snop  }
0x6: {  	_ = 	snop  }
0x7: {  	_ = 	snop  }
__scs_overlays_trampoline_lowered:
0x8: {  	[smem:$0x3F9F] =	sst s0  }
0x9: {  	[smem:$0x3FA0] =	sst s1  }
0xa: {  	[smem:$0x3FA1] =	sst s2  }
0xb: {  	[smem:$0x3FA2] =	sst s3  }
0xc: {  	[smem:$0x3FA3] =	sst s4  }
0xd: {  	[smem:$0x3FA4] =	sst s5  }
0xe: {  	[smem:$0x3FA5] =	sst s6  }
0xf: {  	[smem:$0x3FA6] =	sst s7  }
0x10: {  	[smem:$0x3FA7] =	sst s8  }
0x11: {  	[smem:$0x3FA8] =	sst s9;
	s0 =	simm.s32 @!p0 $0x0  }
0x12: {  	s1 =	sld [smem:$0x3F8E];
	s0 =	simm.s32 @p0 $0x1  }
0x13: {  	[smem:$0x3FA9] =	sst s0;
	s0 =	simm.s32 @!p1 $0x0  }
0x14: {  	s2 =	sld [smem:$0x3F8D];
	s0 =	simm.s32 @p1 $0x1  }
0x15: {  	[smem:$0x3FAA] =	sst s0;
	s0 =	simm.s32 @!p2 $0x0  }
0x16: {  	s3 =	sld [smem:$0x3FDB];
	s0 =	simm.s32 @p2 $0x1  }
0x17: {  	s4 =	simm.s32 $0x1BF5;
	[smem:$0x3FAC] =	sst s0  }
0x18: {  	s0 =	sld [smem:$0x3F8F];
	_ =	swait.ge [sflag:s4], $0x0  }
0x19: {  	s7 =	sld [smem:$0x3F90]  }
0x1a: {  	s8 =	sadd.s32 $0xFFFFE003, lr  }
0x1b: {  	s9 =	sadd.s32 $0xFFFFFEF7, lr;
	s5 =	simm.s32 $0xFFFFFFFF;
	p2 =	slt.u32 s8, $0xFFFFF086  }
0x1c: {  	p1 =	slt.u32 s9, $0xF7A;
	s5 =	simm.s32 @!p2 $0x0  }
0x1d: {  	s5 =	simm.s32 @p1 $0x1;
	p0 =	seq.s32 s7, s2  }
0x1e: {  	s7 =	smul.u32 @!p0 $0xF7A, s2;
	p2 =	seq.s32 @!p0 s5, $0x0  }
0x1f: {  	s9 =	smul.u32 $0xF7A, s1;
	s8 =	simm.s32 @!p0 $0x1BF5;
	p2 =	por !p2, p0  }
0x20: {  	[sflag:s8] =	ssyncset.s32 @!p0 $0xFFFFF086;
	s6 =	sadd.s32 @!p0 s3, s7;
	s7 =	simm.s32 @!p0 $0x108  }
0x21: {  	s3 =	sadd.s32 s3, s9;
	s6 =	sadd.s32 @!p0 $0x88, s6;
	s7 =	simm.s32 @p2 $0x1082  }
0x22: {  	[simem:s7], [sflag:s8] =	dma.local @!p0 [hbm:s6], $0xF7A  }
0x23: {  	s9 =	sor.u32 $0xD0000000, s2;
	s6 =	simm.s32 $0x108;
	_ =	swait.ge @!p0 [sflag:s8], $0x0  }
0x24: {  	s3 =	sadd.s32 $0x88, s3;
	s6 =	simm.s32 @!p1 $0x1082;
	[sflag:s4] =	ssyncset.s32 $0xFFFFF086  }
0x25: {  	[simem:s6], [sflag:s4] =	dma.local [hbm:s3], $0xF7A  }
0x26: {  	[smem:$0x3F90] =	sst s1;
	(tag) =	ssettag s2;
	_ =	strace s9  }
0x27: {  	s1 =	sld [smem:$0x3FA0]  }
0x28: {  	s2 =	sld [smem:$0x3FA1]  }
0x29: {  	s4 =	sld [smem:$0x3FA3]  }
0x2a: {  	p0 =	seq.s32 s5, $0x0;
	s5 =	sld [smem:$0x3FA4]  }
0x2b: {  	s6 =	sld [smem:$0x3FA5]  }
0x2c: {  	s7 =	sld [smem:$0x3FA6]  }
0x2d: {  	s3 =	simm.s32 $0x108;
	s8 =	sld [smem:$0x3FA7]  }
0x2e: {  	s3 =	simm.s32 @!p0 $0x1082;
	s9 =	sld [smem:$0x3FA8]  }
0x2f: {  	lr =	sadd.s32 s0, s3;
	s0 =	sld [smem:$0x3F9F]  }
0x30: {  	s3 =	sld [smem:$0x3FA2]  }
0x31: {  	[smem:$0x3FAB] =	sst s10  }
0x32: {  	s10 =	sld [smem:$0x3FA9];
	_ =	sdelay $0x3  }
0x33: {  	p0 =	seq.s32 s10, $0x1;
	s10 =	sld [smem:$0x3FAB];
	_ =	sdelay $0x3  }
0x34: {  	[smem:$0x3FAB] =	sst s10  }
0x35: {  	s10 =	sld [smem:$0x3FAA];
	_ =	sdelay $0x3  }
0x36: {  	p1 =	seq.s32 s10, $0x1;
	s10 =	sld [smem:$0x3FAB];
	_ =	sdelay $0x3  }
0x37: {  	[smem:$0x3FAB] =	sst s10  }
0x38: {  	s10 =	sld [smem:$0x3FAC]  }
0x39: {  	_ = 	snop;
	(pc) =	sbr.ind lr, $3  }
0x3a: {  	_ = 	snop  }
0x3b: {  	_ = 	snop  }
0x3c: {  	p2 =	seq.s32 s10, $0x1;
	s10 =	sld [smem:$0x3FAB]  }
0x3d: {  	_ =	shalt  }
0x3e: {  	_ =	shalt  }
0x3f: {  	_ =	shalt  }
0x40: {  	_ =	shalt  }
0x41: {  	_ =	shalt  }
0x42: {  	_ =	shalt  }
0x43: {  	_ =	shalt  }
0x44: {  	_ =	shalt  }
0x45: {  	_ =	shalt  }
0x46: {  	_ =	shalt  }
0x47: {  	_ =	shalt  }
0x48: {  	_ =	shalt  }
0x49: {  	_ =	shalt  }
0x4a: {  	_ =	shalt  }
0x4b: {  	_ =	shalt  }
0x4c: {  	_ =	shalt  }
0x4d: {  	_ =	shalt  }
0x4e: {  	_ =	shalt  }
0x4f: {  	_ =	shalt  }
0x50: {  	_ =	shalt  }
0x51: {  	_ =	shalt  }
0x52: {  	_ =	shalt  }
0x53: {  	_ =	shalt  }
0x54: {  	_ =	shalt  }
0x55: {  	_ =	shalt  }
0x56: {  	_ =	shalt  }
0x57: {  	_ =	shalt  }
0x58: {  	_ =	shalt  }
0x59: {  	_ =	shalt  }
0x5a: {  	_ =	shalt  }
0x5b: {  	_ =	shalt  }
0x5c: {  	_ =	shalt  }
0x5d: {  	_ =	shalt  }
0x5e: {  	_ =	shalt  }
0x5f: {  	_ =	shalt  }
0x60: {  	_ =	shalt  }
0x61: {  	_ =	shalt  }
0x62: {  	_ =	shalt  }
0x63: {  	_ =	shalt  }
0x64: {  	_ =	shalt  }
0x65: {  	_ =	shalt  }
0x66: {  	_ =	shalt  }
0x67: {  	_ =	shalt  }
0x68: {  	_ =	shalt  }
0x69: {  	_ =	shalt  }
0x6a: {  	_ =	shalt  }
0x6b: {  	_ =	shalt  }
0x6c: {  	_ =	shalt  }
0x6d: {  	_ =	shalt  }
0x6e: {  	_ =	shalt  }
0x6f: {  	_ =	shalt  }
0x70: {  	_ =	shalt  }
0x71: {  	_ =	shalt  }
0x72: {  	_ =	shalt  }
0x73: {  	_ =	shalt  }
0x74: {  	_ =	shalt  }
0x75: {  	_ =	shalt  }
0x76: {  	_ =	shalt  }
0x77: {  	_ =	shalt  }
0x78: {  	_ =	shalt  }
0x79: {  	_ =	shalt  }
0x7a: {  	_ =	shalt  }
0x7b: {  	_ =	shalt  }
0x7c: {  	_ =	shalt  }
0x7d: {  	_ =	shalt  }
0x7e: {  	_ =	shalt  }
0x7f: {  	_ =	shalt  }
0x80: {  	_ =	shalt  }
0x81: {  	_ =	shalt  }
0x82: {  	_ =	shalt  }
0x83: {  	_ =	shalt  }
0x84: {  	_ =	shalt  }
0x85: {  	_ =	shalt  }
0x86: {  	_ =	shalt  }
0x87: {  	_ =	shalt  }
.Lfunc_end0:
.L_simem_size_0:
called_computation_lowered:
.L_overlay_start_0:
0x88: {  	s2 =	sld [smem:$0x3FD9]  }
0x89: {  	s3 =	sld [smem:$0x3FFE];
	_ =	sdelay $0x1  }
0x8a: {  	s1 =	srdreg.scid  }
0x8b: {  	s0 =	sand.u32 $0x1, s1  }
0x8c: {  	s16 =	sshll.u32 s0, $0xA;
	s2 =	sadd.s32 s3, s2  }
0x8d: {  	s2 =	sadd.s32 s2, s16  }
0x8e: {  	[smem:$0x3FB7] =	sst s2  }
0x8f: {  	_ = 	snop  }
0x90: {  	(tm) =	ssettm $0x1  }
0x91: {  	s17 =	sld [smem:$0x3FFB];
	_ =	sdelay $0x3  }
0x92: {  	_ =	strace s17  }
0x93: {  	s2 =	sld [smem:$0x3FFC];
	_ =	sdelay $0x3  }
0x94: {  	_ =	strace s2  }
0x95: {  	s2 =	sld [smem:$0x3FFD];
	_ =	sdelay $0x3  }
0x96: {  	_ =	strace s2  }
0x97: {  	_ =	strace $0x8FFFFFFF  }
0x98: {  	s18 =	sld [smem:$0x3FDB];
	_ =	sdelay $0x1  }
0x99: {  	s19 =	simm.s32 $_scs_section_size  }
0x9a: {  	s4 =	simm.s32 $_size__tile_overlayer_lowered;
	s5 =	simm.s32 $_tile_overlayer_lowered  }
0x9b: {  	s22 =	simm.s32 $0x1BFF;
	s21 =	sshll.u32 s5, $0x1;
	s2 =	sadd.s32 s19, s18  }
0x9c: {  	s6 =	simm.s32 $0x0;
	s20 =	sshll.u32 s4, $0x1;
	s4 =	sadd.s32 s21, s2  }
0x9d: {  	[timem:s6], [sflag:s22] =	dma.local [hbm:s4], s20  }
0x9e: {  	_ =	swait.ge [sflag:s22], s20  }
0x9f: {  	s3 =	ssub.s32 $0x0, s20;
	[sflag:s22] =	ssyncset.done $0x0  }
0xa0: {  	[sflag:s22] =	ssyncadd.s32 s3;
	_ =	sdelay $0x1  }
0xa1: {  	s23 =	simm.s32 $0x1B8B  }
0xa2: {  	_ =	swait.ge [sflag:s23], $0x1  }
0xa3: {  	[sflag:s23] =	ssyncset.done $0x0  }
0xa4: {  	s25 =	simm.s32 $0x1B8E;
	s24 =	sld [smem:$0x3FFE];
	[sflag:s23] =	ssyncadd.s32 $0xFFFFFFFF  }
0xa5: {  	s26 =	simm.s32 $execute0_lowered;
	[smem:$0x3FD2] =	sst s25  }
0xa6: {  	s4 =	sshll.u32 s26, $0x1;
	_ =	strace $0x80000046;
	[dreg:$0x1] =	wrdreg $0xFFFFFFFF  }
0xa7: {  	s28 =	simm.s32 $_size_execute0_lowered;
	s2 =	sadd.s32 s2, s4;
	[dreg:$0x0] =	wrdreg $0x0  }
0xa8: {  	s4 =	sshll.u32 s28, $0x1;
	[dreg:$0x2] =	wrdreg s2  }
0xa9: {  	[dreg:$0x3] =	wrdreg s4  }
0xaa: {  	[dreg:$0x4] =	wrdreg $0xC0  }
0xab: {  	_ =	task [dreg:s6], $0x5FFFF  }
0xac: {  	[dreg:$0x1] =	wrdreg $0xFFFFFFFF  }
0xad: {  	[dreg:$0x0] =	wrdreg $0x60  }
0xae: {  	[dreg:$0x2] =	wrdreg s24  }
0xaf: {  	[dreg:$0x3] =	wrdreg $0x9  }
0xb0: {  	_ =	task.clear_ibuf [dreg:s6], $0x4FFFF;
	_ =	strace $0x90000046  }
0xb1: {  	s29 =	simm.s32 $0x9;
	_ =	strace $0x80000048  }
0xb2: {  	_ =	swait.ge [sflag:s29], $0x1  }
0xb3: {  	[sflag:s29] =	ssyncadd.s32 $0xFFFFFFFF  }
0xb4: {  	_ =	strace $0x90000048  }
0xb5: {  	_ =	sfence  }
0xb6: {  	s30 =	sld [smem:$0x0];
	_ =	sdelay $0x2  }
0xb7: {  	s31 =	sshll.u32 s1, $0xD;
	s1 =	sshrl.u32 s1, $0x2  }
0xb8: {  	s3 =	sand.u32 $0x4000, s31;
	s1 =	sadd.s32 s1, s30  }
0xb9: {  	s0 =	sor.u32 s3, s0;
	s1 =	sshll.u32 s1, $0x11  }
0xba: {  	s0 =	sor.u32 s1, s0  }
0xbb: {  	s0 =	sadd.s32 $0x8F2B, s0  }
0xbc: {  	[sflag:s0] =	ssyncadd.remote.s32 $0x1  }
0xbd: {  	_ =	sfence.sel $0xFFFF  }
0xbe: {  	[dreg:$0x0] =	wrdreg $0xFFFFFFFF;
	(pc) =	sbr.abs _section_cstart, $3  }
0xbf: {  	[dreg:$0x1] =	wrdreg $0xFFFFFFFF  }
0xc0: {  	_ =	task.clear_ibuf [dreg:s6], $0x2FFFF;
	_ =	strace $0x9FFFFFFF  }
0xc1: {  	(tm) =	ssettm $0x7FFFFFFF  }
tec
execute0_lowered:
.L_overlay_start_1:
0x0: {  	(tag) =	ssettag $0x1  }
0x1: {  	s4 =	rddreg [dreg:$0x0]  }
0x2: {  	s0 =	rddreg [dreg:$0x1]  }
0x3: {  	s3 =	srdreg.scid;
	s1 =	stileid.u32;
	s2 =	simm.s32 $0x0  }
0x4: {  	s13 =	simm.s32 $0x5000;
	s14 =	simm.s32 $0x1;
	s15 =	simm.s32 $0x2  }
0x5: {  	s16 =	simm.s32 $0xC80;
	s17 =	simm.s32 $0x0;
	s25 =	smul.u32 $0xD0000, s1  }
0x6: {  	s7 =	sand.u32 $0x1, s3;
	s23 =	sshll.u32 s1, $0x1;
	s29 =	smul.u32 $0x1A000, s1  }
0x7: {  	[smem:$0x7FF] =	sst s2;
	s12 =	sadd.s32 $0x2200, s4;
	s28 =	smul.u32 $0x68000, s7  }
0x8: {  	s5 =	sor.u32 s7, s23;
	_ =	strace $0x80000047;
	s30 =	smul.u32 $0xD000, s7  }
0x9: {  	s8 =	ssub.s32 $0x2, s7;
	s3 =	sshll.u32 s5, $0x9;
	s9 =	smul.u32 $0x68000, s5  }
0xa: {  	s10 =	sshrl.u32 s8, $0x1;
	s11 =	smul.u32 $0xD000, s5;
	s6 =	sadd.s32 s3, s4  }
0xb: {  	s3 =	sadd.s32 $0xF48800, s4;
	s24 =	ssub.s32 s8, s10;
	s8 =	sadd.s32 s28, s25  }
0xc: {  	s10 =	sadd.s32 s29, s12;
	s4 =	sadd.s32 $0xF44800, s6;
	s26 =	sshrl.u32 s9, $0x3  }
0xd: {  	s5 =	smax.u32 s24, $0x1;
	s31 =	sadd.s32 s12, s11;
	s8 =	sshrl.u32 s8, $0x3  }
0xe: {  	s9 =	sadd.s32 s30, s10;
	s10 =	simm.s32 $0x3;
	s11 =	simm.s32 $0x80  }
0xf: {  	s6 =	sadd.s32 s12, s26;
	s7 =	sadd.s32 $0xC800, s31;
	s8 =	sadd.s32 s8, s12  }
0x10: {  	s9 =	sadd.s32 $0x800, s9;
	s12 =	simm.s32 $0x1000;
	s6 =	sadd.s32 $0xC000, s6  }
.LBB2_1:
0x11: {  	[tilespmem:s2], [sflag:$0x3] =	stream.linear.gather [hbm4b:s4+s2], $0xD00, $0x38;
	[tilespmem:$0x9000] =	vst v63  }
0x12: {  	_ =	swait.ge [sflag:s10], $0xD00  }
0x13: {  	[sflag:s10] =	ssyncset.done $0x0  }
0x14: {  	[sflag:s10] =	ssyncadd.s32 $0xFFFFF300  }
0x15: {  	[tilespmem:s12], [sflag:$0x1] =	stream.indirect.gather [hbm4b:s3+s11], $0x80, s2, s11, $0xb8;
	[tilespmem:$0x9000] =	vst v63  }
0x16: {  	s18 =	simm.s32 $0x80  }
0x17: {  	[tilespmem:s13], [sflag:$0x2] =	stream.indirect.gather [hbm4b:s3+s11], $0x80, s18, s11, $0xb8;
	[tilespmem:$0x9000] =	vst v63  }
0x18: {  	_ =	swait.ge [sflag:s14], $0x4000  }
0x19: {  	[sflag:s14] =	ssyncset.done $0x0  }
0x1a: {  	s29 =	sadd.s32 $0x0, s8;
	[sflag:s14] =	ssyncadd.s32 $0xFFFFC000  }
0x1b: {  	[hbm4b:s29+s2] =	stream.linear.scatter [tilespmem:s12], [sflag:$0x3], $0x4000, $0x38;
	[tilespmem:$0x9000] =	vst v63  }
0x1c: {  	_ =	swait.ge [sflag:s10], $0x4000  }
0x1d: {  	[sflag:s10] =	ssyncset.done $0x0  }
0x1e: {  	s30 =	simm.s32 $0x100;
	[sflag:s10] =	ssyncadd.s32 $0xFFFFC000  }
0x1f: {  	[tilespmem:s12], [sflag:$0x1] =	stream.indirect.gather [hbm4b:s3+s11], $0x80, s30, s11, $0xb8;
	[tilespmem:$0x9000] =	vst v63  }
0x20: {  	_ =	swait.ge [sflag:s15], $0x4000  }
0x21: {  	[sflag:s15] =	ssyncset.done $0x0  }
0x22: {  	s31 =	sadd.s32 $0x0, s9;
	[sflag:s15] =	ssyncadd.s32 $0xFFFFC000  }
0x23: {  	[hbm4b:s31+s2] =	stream.linear.scatter [tilespmem:s13], [sflag:$0x3], $0x4000, $0x38;
	[tilespmem:$0x9000] =	vst v63  }
0x24: {  	s20 =	simm.s32 $0x2000;
	_ =	swait.ge [sflag:s10], $0x4000  }
0x25: {  	s19 =	simm.s32 $0x200;
	s18 =	simm.s32 $0x1000;
	[sflag:s10] =	ssyncset.done $0x0  }
.LBB2_2:
0x26: {  	p0 =	sne.s32 s20, $0xB000;
	s21 =	sadd.s32 $0xFFFFFF80, s19;
	[sflag:s10] =	ssyncadd.s32 $0xFFFFC000  }
0x27: {  	[tilespmem:s13], [sflag:$0x2] =	stream.indirect.gather [hbm4b:s3+s11], $0x80, s21, s11, $0xb8;
	[tilespmem:$0x9000] =	vst v63  }
0x28: {  	s21 =	smov.u32 s20;
	s20 =	sadd.s32 $0x1000, s20;
	_ =	swait.ge [sflag:s14], $0x4000  }
0x29: {  	[sflag:s14] =	ssyncset.done $0x0  }
0x2a: {  	s22 =	sadd.s32 s18, s8;
	[sflag:s14] =	ssyncadd.s32 $0xFFFFC000  }
0x2b: {  	[hbm4b:s22+s2] =	stream.linear.scatter [tilespmem:s12], [sflag:$0x3], $0x4000, $0x38;
	[tilespmem:$0x9000] =	vst v63  }
0x2c: {  	_ =	swait.ge [sflag:s10], $0x4000  }
0x2d: {  	[sflag:s10] =	ssyncset.done $0x0  }
0x2e: {  	[sflag:s10] =	ssyncadd.s32 $0xFFFFC000  }
0x2f: {  	[tilespmem:s12], [sflag:$0x1] =	stream.indirect.gather [hbm4b:s3+s11], $0x80, s19, s11, $0xb8;
	[tilespmem:$0x9000] =	vst v63  }
0x30: {  	_ =	swait.ge [sflag:s15], $0x4000  }
.Ltmp0:
0x31: {  	[sflag:s15] =	ssyncset.done $0x0;
	(pc) =	sbr.rel @p0 .LBB2_2-.Ltmp0, $4  }
0x32: {  	s22 =	sadd.s32 s18, s9;
	s18 =	smov.u32 s21;
	[sflag:s15] =	ssyncadd.s32 $0xFFFFC000  }
0x33: {  	[hbm4b:s22+s2] =	stream.linear.scatter [tilespmem:s13], [sflag:$0x3], $0x4000, $0x38;
	[tilespmem:$0x9000] =	vst v63  }
0x34: {  	_ =	swait.ge [sflag:s10], $0x4000  }
0x35: {  	s19 =	sadd.s32 $0x100, s19;
	[sflag:s10] =	ssyncset.done $0x0  }
0x36: {  	s20 =	sadd.s32 $0xFFFFFF80, s19;
	[sflag:s10] =	ssyncadd.s32 $0xFFFFC000  }
0x37: {  	[tilespmem:s13], [sflag:$0x2] =	stream.indirect.gather [hbm4b:s3+s11], $0x80, s20, s11, $0xb8;
	[tilespmem:$0x9000] =	vst v63  }
0x38: {  	_ =	swait.ge [sflag:s14], $0x4000  }
0x39: {  	[sflag:s14] =	ssyncset.done $0x0  }
0x3a: {  	s30 =	sadd.s32 s18, s8;
	[sflag:s14] =	ssyncadd.s32 $0xFFFFC000  }
0x3b: {  	[hbm4b:s30+s2] =	stream.linear.scatter [tilespmem:s12], [sflag:$0x3], $0x4000, $0x38;
	[tilespmem:$0x9000] =	vst v63  }
0x3c: {  	_ =	swait.ge [sflag:s10], $0x4000  }
0x3d: {  	[sflag:s10] =	ssyncset.done $0x0  }
0x3e: {  	[sflag:s10] =	ssyncadd.s32 $0xFFFFC000  }
0x3f: {  	[tilespmem:s12], [sflag:$0x1] =	stream.indirect.gather [hbm4b:s3+s11], $0x80, s19, s11, $0xb8;
	[tilespmem:$0x9000] =	vst v63  }
0x40: {  	_ =	swait.ge [sflag:s15], $0x4000  }
0x41: {  	[sflag:s15] =	ssyncset.done $0x0  }
0x42: {  	s31 =	sadd.s32 s18, s9;
	[sflag:s15] =	ssyncadd.s32 $0xFFFFC000  }
0x43: {  	[hbm4b:s31+s2] =	stream.linear.scatter [tilespmem:s13], [sflag:$0x3], $0x4000, $0x38;
	[tilespmem:$0x9000] =	vst v63  }
0x44: {  	_ =	swait.ge [sflag:s10], $0x4000  }
0x45: {  	[sflag:s10] =	ssyncset.done $0x0  }
0x46: {  	[sflag:s10] =	ssyncadd.s32 $0xFFFFC000  }
0x47: {  	[tilespmem:s13], [sflag:$0x2] =	stream.indirect.gather [hbm4b:s3+s11], $0x80, s16, s11, $0xb8;
	[tilespmem:$0x9000] =	vst v63  }
0x48: {  	_ =	swait.ge [sflag:s14], $0x4000  }
0x49: {  	[sflag:s14] =	ssyncset.done $0x0  }
0x4a: {  	[sflag:s14] =	ssyncadd.s32 $0xFFFFC000  }
0x4b: {  	[hbm4b:s6+s2] =	stream.linear.scatter [tilespmem:s12], [sflag:$0x3], $0x4000, $0x38;
	[tilespmem:$0x9000] =	vst v63  }
0x4c: {  	_ =	swait.ge [sflag:s10], $0x4000  }
0x4d: {  	[sflag:s10] =	ssyncset.done $0x0  }
0x4e: {  	[sflag:s10] =	ssyncadd.s32 $0xFFFFC000  }
0x4f: {  	s17 =	sadd.s32 $0x1, s17;
	_ =	swait.ge [sflag:s15], $0x4000  }
0x50: {  	p0 =	sne.s32 s17, s5;
	[sflag:s15] =	ssyncset.done $0x0  }
.Ltmp1:
0x51: {  	[sflag:s15] =	ssyncadd.s32 $0xFFFFC000;
	(pc) =	sbr.rel @p0 .LBB2_1-.Ltmp1, $4  }
0x52: {  	[hbm4b:s7+s2] =	stream.linear.scatter [tilespmem:s13], [sflag:$0x3], $0x4000, $0x38;
	[tilespmem:$0x9000] =	vst v63  }
0x53: {  	_ =	swait.ge [sflag:s10], $0x4000  }
0x54: {  	[sflag:s10] =	ssyncset.done $0x0  }
0x55: {  	[sflag:s10] =	ssyncadd.s32 $0xFFFFC000  }
0x56: {  	_ =	sfence.sel $0x180000  }
0x57: {  	[bflag:$0x0] =	sbarrier.arrive $0xFFFF  }
0x58: {  	p0 =	sne.s32 s1, $0x0;
	_ =	strace $0x90000047  }
0x59: {  	s0 =	sadd.s32 @!p0 $0x100000, s0;
	[bflag:$0x2] =	sbarrier.arrive $0xFFFF  }
0x5a: {  	[sflag:s0] =	ssyncadd.tile.s32 @!p0 $0x1;
	_ =	shalt  }
.Lfunc_end2:
_tile_overlayer_lowered:
.L_overlay_start_2:
0x5b: {  	(tag) =	ssettag $0x2  }
0x5c: {  	s0 =	rddreg [dreg:$0x0];
	s2 =	stileid.u32  }
0x5d: {  	s1 =	rddreg [dreg:$0x1];
	p0 =	sne.s32 s2, $0x0  }
0x5e: {  	s3 =	rddreg [dreg:$0x2];
	[bflag:$0x3] =	sbarrier.arrive $0xFFFF;
	s2 =	simm.s32 @!p0 $0x1C03  }
0x5f: {  	[timem:s3], [sflag:s2] =	dma.local @!p0 [hbm:s0], s1  }
0x60: {  	s0 =	simm.s32 @!p0 $0x3  }
0x61: {  	_ =	swait.ge @!p0 [sflag:s0], s1  }
0x62: {  	s1 =	ssub.s32 @!p0 $0x0, s1;
	[sflag:s0] =	ssyncset.done @!p0 $0x0  }
0x63: {  	[sflag:s0] =	ssyncadd.s32 @!p0 s1  }
0x64: {  	[bflag:$0x3] =	sbarrier.arrive $0xFFFF  }
0x65: {  	_ =	shalt  }

</sc_bundles>
